<compile_context>
chip_gen: v7x
topology: tpu7x:2x2x1
jax: 0.10.2.dev20260603
libtpu: 0.0.44.dev20260713+nightly
codegen_flags: <defaults>
</compile_context>

<pallas_src>
import functools

import jax
import jax.numpy as jnp
import numpy as np
from jax import lax
from jax.experimental import pallas as pl
from jax.experimental.pallas import tpu as pltpu
from jax.experimental.pallas import tpu_sc as plsc


def _disabled_tofs(tof_count, min_c, max_c, neighbor_p, seed=0):
    rng = np.random.default_rng(seed)
    count = int(rng.integers(min_c, max_c + 1))
    tof_list = rng.permutation(tof_count)
    first = int(rng.integers(1, tof_count))
    disabled = [first]
    tof_list = tof_list[tof_list != first]
    for _ in range(count - 1):
        r = float(rng.random())
        if r < neighbor_p:
            if r < neighbor_p / 2.0:
                offsets = (1, -1)
            else:
                offsets = (tof_count // 2, -(tof_count // 2))
            appended = False
            for d in list(disabled):
                for off in offsets:
                    cand = d + off
                    if cand in tof_list:
                        tof_list = tof_list[tof_list != cand]
                        disabled.append(int(cand))
                        appended = True
                        break
                if appended:
                    break
            if not appended:
                new = int(tof_list[0])
                tof_list = tof_list[tof_list != new]
                disabled.append(new)
        else:
            new = int(tof_list[0])
            tof_list = tof_list[tof_list != new]
            disabled.append(new)
    return sorted(int(x) for x in disabled)


_ROWS, _COLS = 16384, 2048
_NW = 32
_NS = 16
_CH = 16
_NBUF = 3
_RA = 1
_N = _ROWS // (_NW * _CH)
_PAD = _NBUF - (_N % _NBUF) if _N % _NBUF else 0


@functools.cache
def _build(tof_count):
    disabled = _disabled_tofs(tof_count, 1, 3, 0.5)
    windows = sorted({(c // 128) * 128 for c in disabled})
    groups = {w: sorted({((c - w) // 16) * 16 for c in disabled
                         if (c // 128) * 128 == w}) for w in windows}
    lanes = {w: {g: [c - w - g for c in disabled
                     if (c // 128) * 128 == w and ((c - w) // 16) * 16 == g]
                 for g in groups[w]} for w in windows}
    nwin = len(windows)
    mesh = plsc.VectorSubcoreMesh(core_axis_name="c", subcore_axis_name="s")

    @functools.partial(
        pl.kernel,
        mesh=mesh,
        out_type=jax.ShapeDtypeStruct((_ROWS, _COLS), jnp.float32),
        scratch_types=(
            [pltpu.VMEM_SHARED((_NS, _NBUF, _CH, _COLS), jnp.float32)]
            + [pltpu.VMEM((_CH, 128), jnp.float32) for _ in range(nwin)]
            + [pltpu.SemaphoreType.DMA for _ in range(2 * _NBUF)]
        ),
    )
    def k(img_hbm, out_hbm, spm, *rest):
        fbufs = rest[:nwin]
        isems = rest[nwin:nwin + _NBUF]
        osems = rest[nwin + _NBUF:nwin + 2 * _NBUF]
        sid = lax.axis_index("s")
        wid = sid * 2 + lax.axis_index("c")
        iota = lax.iota(jnp.int32, 16)

        def in_cp(i, b):
            r = pl.ds((i * _NW + wid) * _CH, _CH)
            return pltpu.make_async_copy(
                img_hbm.at[r, :], spm.at[sid, b], isems[b])

        def out_cp(i, b):
            r = pl.ds((i * _NW + wid) * _CH, _CH)
            return pltpu.make_async_copy(
                spm.at[sid, b], out_hbm.at[r, :], osems[b])

        for p in range(_RA):
            in_cp(p, p).start()

        def body(g, carry):
            for b in range(_NBUF):
                i = g * _NBUF + b
                j = i + _RA
                bj = (b + _RA) % _NBUF

                @pl.when(j < _N)
                def _():
                    @pl.when(j >= _NBUF)
                    def _():
                        out_cp(j - _NBUF, bj).wait()
                    in_cp(j, bj).start()

                @pl.when(i < _N)
                def _():
                    in_cp(i, b).wait()
                    for w, fbuf in zip(windows, fbufs):
                        pltpu.sync_copy(
                            spm.at[sid, b, :, pl.ds(w, 128)], fbuf)

                    def fix(r, carry2):
                        for w, fbuf in zip(windows, fbufs):
                            for gg in groups[w]:
                                v = fbuf[r, pl.ds(gg, 16)]
                                keep = jnp.ones((16,), jnp.float32)
                                for lane in lanes[w][gg]:
                                    keep = jnp.where(iota == lane, 0.0, keep)
                                fbuf[r, pl.ds(gg, 16)] = v * keep
                        return carry2

                    lax.fori_loop(0, _CH, fix, 0)
                    for w, fbuf in zip(windows, fbufs):
                        pltpu.sync_copy(
                            fbuf, spm.at[sid, b, :, pl.ds(w, 128)])
                    out_cp(i, b).start()
            return carry

        lax.fori_loop(0, (_N + _PAD) // _NBUF, body, 0)
        for b in range(_NBUF):
            last = _N - 1 - ((_N - 1 - b) % _NBUF)
            out_cp(last, last % _NBUF).wait()

    return k


def kernel(img):
    return _build(img.shape[-1])(img)

# --- scband reference (transcript-rebuilt; emitter-appended) ---
"""Pipeline reference for scband-disable-random-tofs-18528488915101 (READ-ONLY COPY).

The authoritative reference and input builder live on the scoring server;
editing this copy changes nothing except your own understanding.
"""

import jax, jax.numpy as jnp
import numpy as np


def _pick_disabled_tofs(tof_count, min_c, max_c, neighbor_p, seed=0):
    # Deterministic re-implementation of the module's internal torch RNG logic
    # using a fixed numpy Generator so the reference is reproducible.
    rng = np.random.default_rng(seed)
    count = int(rng.integers(min_c, max_c + 1))
    tof_list = rng.permutation(tof_count)
    first = int(rng.integers(1, tof_count))
    disabled = [first]
    tof_list = tof_list[tof_list != first]
    for i in range(count - 1):
        r = float(rng.random())
        if r < neighbor_p:
            if r < neighbor_p / 2.0:
                offsets = (1, -1)
            else:
                offsets = (tof_count // 2, -(tof_count // 2))
            appended = False
            for d in list(disabled):
                for off in offsets:
                    cand = d + off
                    if cand in tof_list:
                        tof_list = tof_list[tof_list != cand]
                        disabled.append(int(cand))
                        appended = True
                        break
                if appended:
                    break
            if not appended:
                new = int(tof_list[0])
                tof_list = tof_list[tof_list != new]
                disabled.append(new)
        else:
            new = int(tof_list[0])
            tof_list = tof_list[tof_list != new]
            disabled.append(new)
    return np.asarray(disabled, dtype=np.int64)


def setup_inputs(seed: int = 0):
    key = jax.random.key(seed)
    img = jax.random.normal(key, (16384, 2048), dtype=jnp.float32)
    return {"img": img}


def reference(img):
    tof_count = img.shape[-1]
    idx = jnp.asarray(_pick_disabled_tofs(tof_count, 1, 3, 0.5))
    # img_copy = img.clone(); img_copy[:, disabled_tofs] = 0.0
    img_copy = img.at[:, idx].set(0.0)
    return img_copy

if __name__ == "__main__":
    import jax
    _d = setup_inputs()
    print(jax.jit(kernel)(*tuple(_d.values())))

</pallas_src>

<mosaic_0001>
#map = affine_map<(d0, d1) -> (0, 0)>
module attributes {stable_mosaic.version = 14 : i64} {
  func.func @k(%arg0: i32, %arg1: i32, %arg2: memref<16384x2048xf32, #tpu.memory_space<hbm>>, %arg3: memref<16384x2048xf32, #tpu.memory_space<hbm>>, %arg4: memref<16x3x16x2048xf32, #tpu.memory_space<vmem_shared>>, %arg5: memref<16x128xf32, #tpu.memory_space<vmem>>, %arg6: memref<16x128xf32, #tpu.memory_space<vmem>>, %arg7: memref<16x128xf32, #tpu.memory_space<vmem>>, %arg8: memref<!tpu.dma_semaphore, #tpu.memory_space<semaphore_mem>>, %arg9: memref<!tpu.dma_semaphore, #tpu.memory_space<semaphore_mem>>, %arg10: memref<!tpu.dma_semaphore, #tpu.memory_space<semaphore_mem>>, %arg11: memref<!tpu.dma_semaphore, #tpu.memory_space<semaphore_mem>>, %arg12: memref<!tpu.dma_semaphore, #tpu.memory_space<semaphore_mem>>, %arg13: memref<!tpu.dma_semaphore, #tpu.memory_space<semaphore_mem>>) attributes {dimension_semantics = [#tpu.dimension_semantics<core_parallel>, #tpu.dimension_semantics<subcore_parallel>], iteration_bounds = array<i64: 2, 16>, scalar_prefetch = 0 : i64, scratch_operands = 10 : i64, tpu.core_type = #tpu.core_type<sc_vector_subcore>, window_params = [{transform_indices = #map}, {transform_indices = #map}]} {
    %mul3A = arith.constant 2 : i32
    %mul3A_0 = arith.muli %arg1, %mul3A : i32
    %add3A = arith.addi %mul3A_0, %arg0 : i32
    %iota3A = tpu.iota {dimensions = array<i32: 0>} : vector<16xi32>
    %add3A_1 = arith.constant 0 : i32
    %add3A_2 = arith.addi %add3A_1, %add3A : i32
    %mul3A_3 = arith.constant 16 : i32
    %mul3A_4 = arith.muli %add3A_2, %mul3A_3 : i32
    %dma_start3A = arith.constant 0 : i32
    %dma_start3A_5 = arith.constant 0 : i32
    %dma_start3A_6 = arith.constant 0 : i32
    %dma_start3A_7 = tpu.memref_slice %arg4[%arg1, %dma_start3A, %dma_start3A_5, %dma_start3A_6] : memref<16x3x16x2048xf32, #tpu.memory_space<vmem_shared>> -> memref<1x1x16x2048xf32, #tpu.memory_space<vmem_shared>>
    %dma_start3A_8 = tpu.memref_squeeze %dma_start3A_7 : memref<1x1x16x2048xf32, #tpu.memory_space<vmem_shared>> -> memref<16x2048xf32, #tpu.memory_space<vmem_shared>>
    %dma_start3A_9 = arith.constant 0 : i32
    %dma_start3A_10 = tpu.memref_slice %arg2[%mul3A_4, %dma_start3A_9] : memref<16384x2048xf32, #tpu.memory_space<hbm>> -> memref<16x2048xf32, #tpu.memory_space<hbm>>
    tpu.enqueue_dma source(%dma_start3A_10 : memref<16x2048xf32, #tpu.memory_space<hbm>>) target(%dma_start3A_8 : memref<16x2048xf32, #tpu.memory_space<vmem_shared>>) target_semaphore(%arg8 : memref<!tpu.dma_semaphore, #tpu.memory_space<semaphore_mem>>)
    %scan3A = arith.constant 0 : i32
    %scan3A_11 = arith.constant 0 : i32
    %scan3A_12 = arith.constant 11 : i32
    %scan3A_13 = arith.addi %scan3A_11, %scan3A_12 : i32
    %scan3A_14 = arith.constant 1 : i32
    scf.for %scan3A_48 = %scan3A_11 to %scan3A_13 step %scan3A_14  : i32 {
      %mul3A_49 = arith.constant 3 : i32
      %mul3A_50 = arith.muli %scan3A_48, %mul3A_49 : i32
      %add3A_51 = arith.constant 0 : i32
      %add3A_52 = arith.addi %mul3A_50, %add3A_51 : i32
      %add3A_53 = arith.constant 1 : i32
      %add3A_54 = arith.addi %add3A_52, %add3A_53 : i32
      %lt3A = arith.constant 32 : i32
      %lt3A_55 = arith.cmpi slt, %add3A_54, %lt3A : i32
      %convert_element_type3A = arith.extui %lt3A_55 : i1 to i32
      %cond3A = arith.constant 0 : i32
      %cond3A_56 = arith.cmpi ne, %convert_element_type3A, %cond3A : i32
      scf.if %cond3A_56 {
        %ge3A = arith.constant 3 : i32
        %ge3A_94 = arith.cmpi sge, %add3A_54, %ge3A : i32
        %convert_element_type3A_95 = arith.extui %ge3A_94 : i1 to i32
        %cond3A_96 = arith.constant 0 : i32
        %cond3A_97 = arith.cmpi ne, %convert_element_type3A_95, %cond3A_96 : i32
        scf.if %cond3A_97 {
          %sub3A = arith.constant 3 : i32
          %sub3A_110 = arith.subi %add3A_54, %sub3A : i32
          %mul3A_111 = arith.constant 32 : i32
          %mul3A_112 = arith.muli %sub3A_110, %mul3A_111 : i32
          %add3A_113 = arith.addi %mul3A_112, %add3A : i32
          %mul3A_114 = arith.constant 16 : i32
          %mul3A_115 = arith.muli %add3A_113, %mul3A_114 : i32
          %dma_wait3A_116 = arith.constant 1 : i32
          %dma_wait3A_117 = arith.constant 0 : i32
          %dma_wait3A_118 = tpu.memref_slice %arg3[%mul3A_115, %dma_wait3A_117] : memref<16384x2048xf32, #tpu.memory_space<hbm>> -> memref<16x2048xf32, #tpu.memory_space<hbm>>
          %dma_wait3A_119 = arith.constant 0 : i32
          %dma_wait3A_120 = arith.constant 0 : i32
          %dma_wait3A_121 = tpu.memref_slice %arg4[%arg1, %dma_wait3A_116, %dma_wait3A_119, %dma_wait3A_120] : memref<16x3x16x2048xf32, #tpu.memory_space<vmem_shared>> -> memref<1x1x16x2048xf32, #tpu.memory_space<vmem_shared>>
          %dma_wait3A_122 = tpu.memref_squeeze %dma_wait3A_121 : memref<1x1x16x2048xf32, #tpu.memory_space<vmem_shared>> -> memref<16x2048xf32, #tpu.memory_space<vmem_shared>>
          tpu.wait_dma2 semaphore(%arg12 : memref<!tpu.dma_semaphore, #tpu.memory_space<semaphore_mem>>) src(%dma_wait3A_122 : memref<16x2048xf32, #tpu.memory_space<vmem_shared>>) dst(%dma_wait3A_118 : memref<16x2048xf32, #tpu.memory_space<hbm>>)
        } else {
        }
        %mul3A_98 = arith.constant 32 : i32
        %mul3A_99 = arith.muli %add3A_54, %mul3A_98 : i32
        %add3A_100 = arith.addi %mul3A_99, %add3A : i32
        %mul3A_101 = arith.constant 16 : i32
        %mul3A_102 = arith.muli %add3A_100, %mul3A_101 : i32
        %dma_start3A_103 = arith.constant 1 : i32
        %dma_start3A_104 = arith.constant 0 : i32
        %dma_start3A_105 = arith.constant 0 : i32
        %dma_start3A_106 = tpu.memref_slice %arg4[%arg1, %dma_start3A_103, %dma_start3A_104, %dma_start3A_105] : memref<16x3x16x2048xf32, #tpu.memory_space<vmem_shared>> -> memref<1x1x16x2048xf32, #tpu.memory_space<vmem_shared>>
        %dma_start3A_107 = tpu.memref_squeeze %dma_start3A_106 : memref<1x1x16x2048xf32, #tpu.memory_space<vmem_shared>> -> memref<16x2048xf32, #tpu.memory_space<vmem_shared>>
        %dma_start3A_108 = arith.constant 0 : i32
        %dma_start3A_109 = tpu.memref_slice %arg2[%mul3A_102, %dma_start3A_108] : memref<16384x2048xf32, #tpu.memory_space<hbm>> -> memref<16x2048xf32, #tpu.memory_space<hbm>>
        tpu.enqueue_dma source(%dma_start3A_109 : memref<16x2048xf32, #tpu.memory_space<hbm>>) target(%dma_start3A_107 : memref<16x2048xf32, #tpu.memory_space<vmem_shared>>) target_semaphore(%arg9 : memref<!tpu.dma_semaphore, #tpu.memory_space<semaphore_mem>>)
      } else {
      }
      %lt3A_57 = arith.constant 32 : i32
      %lt3A_58 = arith.cmpi slt, %add3A_52, %lt3A_57 : i32
      %convert_element_type3A_59 = arith.extui %lt3A_58 : i1 to i32
      %cond3A_60 = arith.constant 0 : i32
      %cond3A_61 = arith.cmpi ne, %convert_element_type3A_59, %cond3A_60 : i32
      scf.if %cond3A_61 {
        %mul3A_94 = arith.constant 32 : i32
        %mul3A_95 = arith.muli %add3A_52, %mul3A_94 : i32
        %add3A_96 = arith.addi %mul3A_95, %add3A : i32
        %mul3A_97 = arith.constant 16 : i32
        %mul3A_98 = arith.muli %add3A_96, %mul3A_97 : i32
        %dma_wait3A_99 = arith.constant 0 : i32
        %dma_wait3A_100 = arith.constant 0 : i32
        %dma_wait3A_101 = arith.constant 0 : i32
        %dma_wait3A_102 = tpu.memref_slice %arg4[%arg1, %dma_wait3A_99, %dma_wait3A_100, %dma_wait3A_101] : memref<16x3x16x2048xf32, #tpu.memory_space<vmem_shared>> -> memref<1x1x16x2048xf32, #tpu.memory_space<vmem_shared>>
        %dma_wait3A_103 = tpu.memref_squeeze %dma_wait3A_102 : memref<1x1x16x2048xf32, #tpu.memory_space<vmem_shared>> -> memref<16x2048xf32, #tpu.memory_space<vmem_shared>>
        %dma_wait3A_104 = arith.constant 0 : i32
        %dma_wait3A_105 = tpu.memref_slice %arg2[%mul3A_98, %dma_wait3A_104] : memref<16384x2048xf32, #tpu.memory_space<hbm>> -> memref<16x2048xf32, #tpu.memory_space<hbm>>
        tpu.wait_dma2 semaphore(%arg8 : memref<!tpu.dma_semaphore, #tpu.memory_space<semaphore_mem>>) src(%dma_wait3A_105 : memref<16x2048xf32, #tpu.memory_space<hbm>>) dst(%dma_wait3A_103 : memref<16x2048xf32, #tpu.memory_space<vmem_shared>>)
        %run_scoped3A = arith.constant 0 : i32
        "tpu.region"() ({
          %run_scoped3A_129 = tpu.sem_alloc : memref<!tpu.dma_semaphore, #tpu.memory_space<semaphore_mem>>
          %dma_start3A_130 = arith.constant 0 : i32
          %dma_start3A_131 = arith.constant 128 : i32
          %dma_start3A_132 = tpu.memref_slice %arg4[%arg1, %run_scoped3A, %dma_start3A_130, %dma_start3A_131] : memref<16x3x16x2048xf32, #tpu.memory_space<vmem_shared>> -> memref<1x1x16x128xf32, #tpu.memory_space<vmem_shared>>
          %dma_start3A_133 = tpu.memref_squeeze %dma_start3A_132 : memref<1x1x16x128xf32, #tpu.memory_space<vmem_shared>> -> memref<16x128xf32, #tpu.memory_space<vmem_shared>>
          %dma_start3A_134 = arith.constant 0 : i32
          %dma_start3A_135 = arith.constant 128 : i32
          %dma_start3A_136 = tpu.memref_slice %arg4[%arg1, %run_scoped3A, %dma_start3A_134, %dma_start3A_135] : memref<16x3x16x2048xf32, #tpu.memory_space<vmem_shared>> -> memref<1x1x16x128xf32, #tpu.memory_space<vmem_shared>>
          %dma_start3A_137 = tpu.memref_squeeze %dma_start3A_136 : memref<1x1x16x128xf32, #tpu.memory_space<vmem_shared>> -> memref<16x128xf32, #tpu.memory_space<vmem_shared>>
          tpu.enqueue_dma source(%dma_start3A_137 : memref<16x128xf32, #tpu.memory_space<vmem_shared>>) target(%arg5 : memref<16x128xf32, #tpu.memory_space<vmem>>) target_semaphore(%run_scoped3A_129 : memref<!tpu.dma_semaphore, #tpu.memory_space<semaphore_mem>>)
          %dma_wait3A_138 = arith.constant 0 : i32
          %dma_wait3A_139 = arith.constant 128 : i32
          %dma_wait3A_140 = tpu.memref_slice %arg4[%arg1, %run_scoped3A, %dma_wait3A_138, %dma_wait3A_139] : memref<16x3x16x2048xf32, #tpu.memory_space<vmem_shared>> -> memref<1x1x16x128xf32, #tpu.memory_space<vmem_shared>>
          %dma_wait3A_141 = tpu.memref_squeeze %dma_wait3A_140 : memref<1x1x16x128xf32, #tpu.memory_space<vmem_shared>> -> memref<16x128xf32, #tpu.memory_space<vmem_shared>>
          %dma_wait3A_142 = arith.constant 0 : i32
          %dma_wait3A_143 = arith.constant 128 : i32
          %dma_wait3A_144 = tpu.memref_slice %arg4[%arg1, %run_scoped3A, %dma_wait3A_142, %dma_wait3A_143] : memref<16x3x16x2048xf32, #tpu.memory_space<vmem_shared>> -> memref<1x1x16x128xf32, #tpu.memory_space<vmem_shared>>
          %dma_wait3A_145 = tpu.memref_squeeze %dma_wait3A_144 : memref<1x1x16x128xf32, #tpu.memory_space<vmem_shared>> -> memref<16x128xf32, #tpu.memory_space<vmem_shared>>
          tpu.wait_dma2 semaphore(%run_scoped3A_129 : memref<!tpu.dma_semaphore, #tpu.memory_space<semaphore_mem>>) src(%dma_wait3A_145 : memref<16x128xf32, #tpu.memory_space<vmem_shared>>) dst(%arg5 : memref<16x128xf32, #tpu.memory_space<vmem>>)
          tpu.yield
        }) : () -> ()
        %run_scoped3A_106 = arith.constant 0 : i32
        "tpu.region"() ({
          %run_scoped3A_129 = tpu.sem_alloc : memref<!tpu.dma_semaphore, #tpu.memory_space<semaphore_mem>>
          %dma_start3A_130 = arith.constant 0 : i32
          %dma_start3A_131 = arith.constant 1024 : i32
          %dma_start3A_132 = tpu.memref_slice %arg4[%arg1, %run_scoped3A_106, %dma_start3A_130, %dma_start3A_131] : memref<16x3x16x2048xf32, #tpu.memory_space<vmem_shared>> -> memref<1x1x16x128xf32, #tpu.memory_space<vmem_shared>>
          %dma_start3A_133 = tpu.memref_squeeze %dma_start3A_132 : memref<1x1x16x128xf32, #tpu.memory_space<vmem_shared>> -> memref<16x128xf32, #tpu.memory_space<vmem_shared>>
          %dma_start3A_134 = arith.constant 0 : i32
          %dma_start3A_135 = arith.constant 1024 : i32
          %dma_start3A_136 = tpu.memref_slice %arg4[%arg1, %run_scoped3A_106, %dma_start3A_134, %dma_start3A_135] : memref<16x3x16x2048xf32, #tpu.memory_space<vmem_shared>> -> memref<1x1x16x128xf32, #tpu.memory_space<vmem_shared>>
          %dma_start3A_137 = tpu.memref_squeeze %dma_start3A_136 : memref<1x1x16x128xf32, #tpu.memory_space<vmem_shared>> -> memref<16x128xf32, #tpu.memory_space<vmem_shared>>
          tpu.enqueue_dma source(%dma_start3A_137 : memref<16x128xf32, #tpu.memory_space<vmem_shared>>) target(%arg6 : memref<16x128xf32, #tpu.memory_space<vmem>>) target_semaphore(%run_scoped3A_129 : memref<!tpu.dma_semaphore, #tpu.memory_space<semaphore_mem>>)
          %dma_wait3A_138 = arith.constant 0 : i32
          %dma_wait3A_139 = arith.constant 1024 : i32
          %dma_wait3A_140 = tpu.memref_slice %arg4[%arg1, %run_scoped3A_106, %dma_wait3A_138, %dma_wait3A_139] : memref<16x3x16x2048xf32, #tpu.memory_space<vmem_shared>> -> memref<1x1x16x128xf32, #tpu.memory_space<vmem_shared>>
          %dma_wait3A_141 = tpu.memref_squeeze %dma_wait3A_140 : memref<1x1x16x128xf32, #tpu.memory_space<vmem_shared>> -> memref<16x128xf32, #tpu.memory_space<vmem_shared>>
          %dma_wait3A_142 = arith.constant 0 : i32
          %dma_wait3A_143 = arith.constant 1024 : i32
          %dma_wait3A_144 = tpu.memref_slice %arg4[%arg1, %run_scoped3A_106, %dma_wait3A_142, %dma_wait3A_143] : memref<16x3x16x2048xf32, #tpu.memory_space<vmem_shared>> -> memref<1x1x16x128xf32, #tpu.memory_space<vmem_shared>>
          %dma_wait3A_145 = tpu.memref_squeeze %dma_wait3A_144 : memref<1x1x16x128xf32, #tpu.memory_space<vmem_shared>> -> memref<16x128xf32, #tpu.memory_space<vmem_shared>>
          tpu.wait_dma2 semaphore(%run_scoped3A_129 : memref<!tpu.dma_semaphore, #tpu.memory_space<semaphore_mem>>) src(%dma_wait3A_145 : memref<16x128xf32, #tpu.memory_space<vmem_shared>>) dst(%arg6 : memref<16x128xf32, #tpu.memory_space<vmem>>)
          tpu.yield
        }) : () -> ()
        %run_scoped3A_107 = arith.constant 0 : i32
        "tpu.region"() ({
          %run_scoped3A_129 = tpu.sem_alloc : memref<!tpu.dma_semaphore, #tpu.memory_space<semaphore_mem>>
          %dma_start3A_130 = arith.constant 0 : i32
          %dma_start3A_131 = arith.constant 1280 : i32
          %dma_start3A_132 = tpu.memref_slice %arg4[%arg1, %run_scoped3A_107, %dma_start3A_130, %dma_start3A_131] : memref<16x3x16x2048xf32, #tpu.memory_space<vmem_shared>> -> memref<1x1x16x128xf32, #tpu.memory_space<vmem_shared>>
          %dma_start3A_133 = tpu.memref_squeeze %dma_start3A_132 : memref<1x1x16x128xf32, #tpu.memory_space<vmem_shared>> -> memref<16x128xf32, #tpu.memory_space<vmem_shared>>
          %dma_start3A_134 = arith.constant 0 : i32
          %dma_start3A_135 = arith.constant 1280 : i32
          %dma_start3A_136 = tpu.memref_slice %arg4[%arg1, %run_scoped3A_107, %dma_start3A_134, %dma_start3A_135] : memref<16x3x16x2048xf32, #tpu.memory_space<vmem_shared>> -> memref<1x1x16x128xf32, #tpu.memory_space<vmem_shared>>
          %dma_start3A_137 = tpu.memref_squeeze %dma_start3A_136 : memref<1x1x16x128xf32, #tpu.memory_space<vmem_shared>> -> memref<16x128xf32, #tpu.memory_space<vmem_shared>>
          tpu.enqueue_dma source(%dma_start3A_137 : memref<16x128xf32, #tpu.memory_space<vmem_shared>>) target(%arg7 : memref<16x128xf32, #tpu.memory_space<vmem>>) target_semaphore(%run_scoped3A_129 : memref<!tpu.dma_semaphore, #tpu.memory_space<semaphore_mem>>)
          %dma_wait3A_138 = arith.constant 0 : i32
          %dma_wait3A_139 = arith.constant 1280 : i32
          %dma_wait3A_140 = tpu.memref_slice %arg4[%arg1, %run_scoped3A_107, %dma_wait3A_138, %dma_wait3A_139] : memref<16x3x16x2048xf32, #tpu.memory_space<vmem_shared>> -> memref<1x1x16x128xf32, #tpu.memory_space<vmem_shared>>
          %dma_wait3A_141 = tpu.memref_squeeze %dma_wait3A_140 : memref<1x1x16x128xf32, #tpu.memory_space<vmem_shared>> -> memref<16x128xf32, #tpu.memory_space<vmem_shared>>
          %dma_wait3A_142 = arith.constant 0 : i32
          %dma_wait3A_143 = arith.constant 1280 : i32
          %dma_wait3A_144 = tpu.memref_slice %arg4[%arg1, %run_scoped3A_107, %dma_wait3A_142, %dma_wait3A_143] : memref<16x3x16x2048xf32, #tpu.memory_space<vmem_shared>> -> memref<1x1x16x128xf32, #tpu.memory_space<vmem_shared>>
          %dma_wait3A_145 = tpu.memref_squeeze %dma_wait3A_144 : memref<1x1x16x128xf32, #tpu.memory_space<vmem_shared>> -> memref<16x128xf32, #tpu.memory_space<vmem_shared>>
          tpu.wait_dma2 semaphore(%run_scoped3A_129 : memref<!tpu.dma_semaphore, #tpu.memory_space<semaphore_mem>>) src(%dma_wait3A_145 : memref<16x128xf32, #tpu.memory_space<vmem_shared>>) dst(%arg7 : memref<16x128xf32, #tpu.memory_space<vmem>>)
          tpu.yield
        }) : () -> ()
        %scan3A_108 = arith.constant 0 : i32
        %scan3A_109 = arith.constant 0 : i32
        %scan3A_110 = arith.constant 16 : i32
        %scan3A_111 = arith.addi %scan3A_109, %scan3A_110 : i32
        %scan3A_112 = arith.constant 1 : i32
        scf.for %scan3A_129 = %scan3A_109 to %scan3A_111 step %scan3A_112  : i32 {
          %get3A = arith.index_cast %scan3A_129 : i32 to index
          %get3A_130 = arith.constant 32 : index
          %get3A_131 = tpu.vector_load %arg5[%get3A, %get3A_130] {strides = array<i32>} : memref<16x128xf32, #tpu.memory_space<vmem>>, vector<1x16xf32>,
          %get3A_132 = vector.shape_cast %get3A_131 : vector<1x16xf32> to vector<16xf32>
          %broadcast_in_dim3A = arith.constant 1.000000e+00 : f32
          %broadcast_in_dim3A_133 = vector.broadcast %broadcast_in_dim3A : f32 to vector<16xf32>
          %eq3A = arith.constant 2 : i32
          %eq3A_134 = vector.broadcast %eq3A : i32 to vector<16xi32>
          %eq3A_135 = arith.cmpi eq, %iota3A, %eq3A_134 : vector<16xi32>
          %jit3A = arith.constant 0.000000e+00 : f32
          %broadcast_in_dim3A_136 = vector.broadcast %jit3A : f32 to vector<16xf32>
          %select_n3A = arith.select %eq3A_135, %broadcast_in_dim3A_136, %broadcast_in_dim3A_133 : vector<16xi1>, vector<16xf32>
          %mul3A_137 = arith.mulf %get3A_132, %select_n3A : vector<16xf32>
          %swap3A = arith.index_cast %scan3A_129 : i32 to index
          %swap3A_138 = arith.constant 32 : index
          %swap3A_139 = tpu.vector_load %arg5[%swap3A, %swap3A_138] {strides = array<i32>} : memref<16x128xf32, #tpu.memory_space<vmem>>, vector<1x16xf32>,
          %swap3A_140 = vector.shape_cast %swap3A_139 : vector<1x16xf32> to vector<16xf32>
          %swap3A_141 = vector.shape_cast %mul3A_137 : vector<16xf32> to vector<1x16xf32>
          tpu.vector_store %arg5[%swap3A, %swap3A_138], %swap3A_141 {strides = array<i32>} : memref<16x128xf32, #tpu.memory_space<vmem>>, vector<1x16xf32>,
          %get3A_142 = arith.index_cast %scan3A_129 : i32 to index
          %get3A_143 = arith.constant 64 : index
          %get3A_144 = tpu.vector_load %arg6[%get3A_142, %get3A_143] {strides = array<i32>} : memref<16x128xf32, #tpu.memory_space<vmem>>, vector<1x16xf32>,
          %get3A_145 = vector.shape_cast %get3A_144 : vector<1x16xf32> to vector<16xf32>
          %broadcast_in_dim3A_146 = arith.constant 1.000000e+00 : f32
          %broadcast_in_dim3A_147 = vector.broadcast %broadcast_in_dim3A_146 : f32 to vector<16xf32>
          %eq3A_148 = arith.constant 10 : i32
          %eq3A_149 = vector.broadcast %eq3A_148 : i32 to vector<16xi32>
          %eq3A_150 = arith.cmpi eq, %iota3A, %eq3A_149 : vector<16xi32>
          %jit3A_151 = arith.constant 0.000000e+00 : f32
          %broadcast_in_dim3A_152 = vector.broadcast %jit3A_151 : f32 to vector<16xf32>
          %select_n3A_153 = arith.select %eq3A_150, %broadcast_in_dim3A_152, %broadcast_in_dim3A_147 : vector<16xi1>, vector<16xf32>
          %mul3A_154 = arith.mulf %get3A_145, %select_n3A_153 : vector<16xf32>
          %swap3A_155 = arith.index_cast %scan3A_129 : i32 to index
          %swap3A_156 = arith.constant 64 : index
          %swap3A_157 = tpu.vector_load %arg6[%swap3A_155, %swap3A_156] {strides = array<i32>} : memref<16x128xf32, #tpu.memory_space<vmem>>, vector<1x16xf32>,
          %swap3A_158 = vector.shape_cast %swap3A_157 : vector<1x16xf32> to vector<16xf32>
          %swap3A_159 = vector.shape_cast %mul3A_154 : vector<16xf32> to vector<1x16xf32>
          tpu.vector_store %arg6[%swap3A_155, %swap3A_156], %swap3A_159 {strides = array<i32>} : memref<16x128xf32, #tpu.memory_space<vmem>>, vector<1x16xf32>,
          %get3A_160 = arith.index_cast %scan3A_129 : i32 to index
          %get3A_161 = arith.constant 96 : index
          %get3A_162 = tpu.vector_load %arg7[%get3A_160, %get3A_161] {strides = array<i32>} : memref<16x128xf32, #tpu.memory_space<vmem>>, vector<1x16xf32>,
          %get3A_163 = vector.shape_cast %get3A_162 : vector<1x16xf32> to vector<16xf32>
          %broadcast_in_dim3A_164 = arith.constant 1.000000e+00 : f32
          %broadcast_in_dim3A_165 = vector.broadcast %broadcast_in_dim3A_164 : f32 to vector<16xf32>
          %eq3A_166 = arith.constant 1 : i32
          %eq3A_167 = vector.broadcast %eq3A_166 : i32 to vector<16xi32>
          %eq3A_168 = arith.cmpi eq, %iota3A, %eq3A_167 : vector<16xi32>
          %jit3A_169 = arith.constant 0.000000e+00 : f32
          %broadcast_in_dim3A_170 = vector.broadcast %jit3A_169 : f32 to vector<16xf32>
          %select_n3A_171 = arith.select %eq3A_168, %broadcast_in_dim3A_170, %broadcast_in_dim3A_165 : vector<16xi1>, vector<16xf32>
          %mul3A_172 = arith.mulf %get3A_163, %select_n3A_171 : vector<16xf32>
          %swap3A_173 = arith.index_cast %scan3A_129 : i32 to index
          %swap3A_174 = arith.constant 96 : index
          %swap3A_175 = tpu.vector_load %arg7[%swap3A_173, %swap3A_174] {strides = array<i32>} : memref<16x128xf32, #tpu.memory_space<vmem>>, vector<1x16xf32>,
          %swap3A_176 = vector.shape_cast %swap3A_175 : vector<1x16xf32> to vector<16xf32>
          %swap3A_177 = vector.shape_cast %mul3A_172 : vector<16xf32> to vector<1x16xf32>
          tpu.vector_store %arg7[%swap3A_173, %swap3A_174], %swap3A_177 {strides = array<i32>} : memref<16x128xf32, #tpu.memory_space<vmem>>, vector<1x16xf32>,
        }
        %scan3A_113 = arith.constant 16 : i32
        %run_scoped3A_114 = arith.constant 0 : i32
        "tpu.region"() ({
          %run_scoped3A_129 = tpu.sem_alloc : memref<!tpu.dma_semaphore, #tpu.memory_space<semaphore_mem>>
          %dma_start3A_130 = arith.constant 0 : i32
          %dma_start3A_131 = arith.constant 128 : i32
          %dma_start3A_132 = tpu.memref_slice %arg4[%arg1, %run_scoped3A_114, %dma_start3A_130, %dma_start3A_131] : memref<16x3x16x2048xf32, #tpu.memory_space<vmem_shared>> -> memref<1x1x16x128xf32, #tpu.memory_space<vmem_shared>>
          %dma_start3A_133 = tpu.memref_squeeze %dma_start3A_132 : memref<1x1x16x128xf32, #tpu.memory_space<vmem_shared>> -> memref<16x128xf32, #tpu.memory_space<vmem_shared>>
          %dma_start3A_134 = arith.constant 0 : i32
          %dma_start3A_135 = arith.constant 128 : i32
          %dma_start3A_136 = tpu.memref_slice %arg4[%arg1, %run_scoped3A_114, %dma_start3A_134, %dma_start3A_135] : memref<16x3x16x2048xf32, #tpu.memory_space<vmem_shared>> -> memref<1x1x16x128xf32, #tpu.memory_space<vmem_shared>>
          %dma_start3A_137 = tpu.memref_squeeze %dma_start3A_136 : memref<1x1x16x128xf32, #tpu.memory_space<vmem_shared>> -> memref<16x128xf32, #tpu.memory_space<vmem_shared>>
          tpu.enqueue_dma source(%arg5 : memref<16x128xf32, #tpu.memory_space<vmem>>) target(%dma_start3A_137 : memref<16x128xf32, #tpu.memory_space<vmem_shared>>) target_semaphore(%run_scoped3A_129 : memref<!tpu.dma_semaphore, #tpu.memory_space<semaphore_mem>>)
          %dma_wait3A_138 = arith.constant 0 : i32
          %dma_wait3A_139 = arith.constant 128 : i32
          %dma_wait3A_140 = tpu.memref_slice %arg4[%arg1, %run_scoped3A_114, %dma_wait3A_138, %dma_wait3A_139] : memref<16x3x16x2048xf32, #tpu.memory_space<vmem_shared>> -> memref<1x1x16x128xf32, #tpu.memory_space<vmem_shared>>
          %dma_wait3A_141 = tpu.memref_squeeze %dma_wait3A_140 : memref<1x1x16x128xf32, #tpu.memory_space<vmem_shared>> -> memref<16x128xf32, #tpu.memory_space<vmem_shared>>
          %dma_wait3A_142 = arith.constant 0 : i32
          %dma_wait3A_143 = arith.constant 128 : i32
          %dma_wait3A_144 = tpu.memref_slice %arg4[%arg1, %run_scoped3A_114, %dma_wait3A_142, %dma_wait3A_143] : memref<16x3x16x2048xf32, #tpu.memory_space<vmem_shared>> -> memref<1x1x16x128xf32, #tpu.memory_space<vmem_shared>>
          %dma_wait3A_145 = tpu.memref_squeeze %dma_wait3A_144 : memref<1x1x16x128xf32, #tpu.memory_space<vmem_shared>> -> memref<16x128xf32, #tpu.memory_space<vmem_shared>>
          tpu.wait_dma2 semaphore(%run_scoped3A_129 : memref<!tpu.dma_semaphore, #tpu.memory_space<semaphore_mem>>) src(%arg5 : memref<16x128xf32, #tpu.memory_space<vmem>>) dst(%dma_wait3A_145 : memref<16x128xf32, #tpu.memory_space<vmem_shared>>)
          tpu.yield
        }) : () -> ()
        %run_scoped3A_115 = arith.constant 0 : i32
        "tpu.region"() ({
          %run_scoped3A_129 = tpu.sem_alloc : memref<!tpu.dma_semaphore, #tpu.memory_space<semaphore_mem>>
          %dma_start3A_130 = arith.constant 0 : i32
          %dma_start3A_131 = arith.constant 1024 : i32
          %dma_start3A_132 = tpu.memref_slice %arg4[%arg1, %run_scoped3A_115, %dma_start3A_130, %dma_start3A_131] : memref<16x3x16x2048xf32, #tpu.memory_space<vmem_shared>> -> memref<1x1x16x128xf32, #tpu.memory_space<vmem_shared>>
          %dma_start3A_133 = tpu.memref_squeeze %dma_start3A_132 : memref<1x1x16x128xf32, #tpu.memory_space<vmem_shared>> -> memref<16x128xf32, #tpu.memory_space<vmem_shared>>
          %dma_start3A_134 = arith.constant 0 : i32
          %dma_start3A_135 = arith.constant 1024 : i32
          %dma_start3A_136 = tpu.memref_slice %arg4[%arg1, %run_scoped3A_115, %dma_start3A_134, %dma_start3A_135] : memref<16x3x16x2048xf32, #tpu.memory_space<vmem_shared>> -> memref<1x1x16x128xf32, #tpu.memory_space<vmem_shared>>
          %dma_start3A_137 = tpu.memref_squeeze %dma_start3A_136 : memref<1x1x16x128xf32, #tpu.memory_space<vmem_shared>> -> memref<16x128xf32, #tpu.memory_space<vmem_shared>>
          tpu.enqueue_dma source(%arg6 : memref<16x128xf32, #tpu.memory_space<vmem>>) target(%dma_start3A_137 : memref<16x128xf32, #tpu.memory_space<vmem_shared>>) target_semaphore(%run_scoped3A_129 : memref<!tpu.dma_semaphore, #tpu.memory_space<semaphore_mem>>)
          %dma_wait3A_138 = arith.constant 0 : i32
          %dma_wait3A_139 = arith.constant 1024 : i32
          %dma_wait3A_140 = tpu.memref_slice %arg4[%arg1, %run_scoped3A_115, %dma_wait3A_138, %dma_wait3A_139] : memref<16x3x16x2048xf32, #tpu.memory_space<vmem_shared>> -> memref<1x1x16x128xf32, #tpu.memory_space<vmem_shared>>
          %dma_wait3A_141 = tpu.memref_squeeze %dma_wait3A_140 : memref<1x1x16x128xf32, #tpu.memory_space<vmem_shared>> -> memref<16x128xf32, #tpu.memory_space<vmem_shared>>
          %dma_wait3A_142 = arith.constant 0 : i32
          %dma_wait3A_143 = arith.constant 1024 : i32
          %dma_wait3A_144 = tpu.memref_slice %arg4[%arg1, %run_scoped3A_115, %dma_wait3A_142, %dma_wait3A_143] : memref<16x3x16x2048xf32, #tpu.memory_space<vmem_shared>> -> memref<1x1x16x128xf32, #tpu.memory_space<vmem_shared>>
          %dma_wait3A_145 = tpu.memref_squeeze %dma_wait3A_144 : memref<1x1x16x128xf32, #tpu.memory_space<vmem_shared>> -> memref<16x128xf32, #tpu.memory_space<vmem_shared>>
          tpu.wait_dma2 semaphore(%run_scoped3A_129 : memref<!tpu.dma_semaphore, #tpu.memory_space<semaphore_mem>>) src(%arg6 : memref<16x128xf32, #tpu.memory_space<vmem>>) dst(%dma_wait3A_145 : memref<16x128xf32, #tpu.memory_space<vmem_shared>>)
          tpu.yield
        }) : () -> ()
        %run_scoped3A_116 = arith.constant 0 : i32
        "tpu.region"() ({
          %run_scoped3A_129 = tpu.sem_alloc : memref<!tpu.dma_semaphore, #tpu.memory_space<semaphore_mem>>
          %dma_start3A_130 = arith.constant 0 : i32
          %dma_start3A_131 = arith.constant 1280 : i32
          %dma_start3A_132 = tpu.memref_slice %arg4[%arg1, %run_scoped3A_116, %dma_start3A_130, %dma_start3A_131] : memref<16x3x16x2048xf32, #tpu.memory_space<vmem_shared>> -> memref<1x1x16x128xf32, #tpu.memory_space<vmem_shared>>
          %dma_start3A_133 = tpu.memref_squeeze %dma_start3A_132 : memref<1x1x16x128xf32, #tpu.memory_space<vmem_shared>> -> memref<16x128xf32, #tpu.memory_space<vmem_shared>>
          %dma_start3A_134 = arith.constant 0 : i32
          %dma_start3A_135 = arith.constant 1280 : i32
          %dma_start3A_136 = tpu.memref_slice %arg4[%arg1, %run_scoped3A_116, %dma_start3A_134, %dma_start3A_135] : memref<16x3x16x2048xf32, #tpu.memory_space<vmem_shared>> -> memref<1x1x16x128xf32, #tpu.memory_space<vmem_shared>>
          %dma_start3A_137 = tpu.memref_squeeze %dma_start3A_136 : memref<1x1x16x128xf32, #tpu.memory_space<vmem_shared>> -> memref<16x128xf32, #tpu.memory_space<vmem_shared>>
          tpu.enqueue_dma source(%arg7 : memref<16x128xf32, #tpu.memory_space<vmem>>) target(%dma_start3A_137 : memref<16x128xf32, #tpu.memory_space<vmem_shared>>) target_semaphore(%run_scoped3A_129 : memref<!tpu.dma_semaphore, #tpu.memory_space<semaphore_mem>>)
          %dma_wait3A_138 = arith.constant 0 : i32
          %dma_wait3A_139 = arith.constant 1280 : i32
          %dma_wait3A_140 = tpu.memref_slice %arg4[%arg1, %run_scoped3A_116, %dma_wait3A_138, %dma_wait3A_139] : memref<16x3x16x2048xf32, #tpu.memory_space<vmem_shared>> -> memref<1x1x16x128xf32, #tpu.memory_space<vmem_shared>>
          %dma_wait3A_141 = tpu.memref_squeeze %dma_wait3A_140 : memref<1x1x16x128xf32, #tpu.memory_space<vmem_shared>> -> memref<16x128xf32, #tpu.memory_space<vmem_shared>>
          %dma_wait3A_142 = arith.constant 0 : i32
          %dma_wait3A_143 = arith.constant 1280 : i32
          %dma_wait3A_144 = tpu.memref_slice %arg4[%arg1, %run_scoped3A_116, %dma_wait3A_142, %dma_wait3A_143] : memref<16x3x16x2048xf32, #tpu.memory_space<vmem_shared>> -> memref<1x1x16x128xf32, #tpu.memory_space<vmem_shared>>
          %dma_wait3A_145 = tpu.memref_squeeze %dma_wait3A_144 : memref<1x1x16x128xf32, #tpu.memory_space<vmem_shared>> -> memref<16x128xf32, #tpu.memory_space<vmem_shared>>
          tpu.wait_dma2 semaphore(%run_scoped3A_129 : memref<!tpu.dma_semaphore, #tpu.memory_space<semaphore_mem>>) src(%arg7 : memref<16x128xf32, #tpu.memory_space<vmem>>) dst(%dma_wait3A_145 : memref<16x128xf32, #tpu.memory_space<vmem_shared>>)
          tpu.yield
        }) : () -> ()
        %mul3A_117 = arith.constant 32 : i32
        %mul3A_118 = arith.muli %add3A_52, %mul3A_117 : i32
        %add3A_119 = arith.addi %mul3A_118, %add3A : i32
        %mul3A_120 = arith.constant 16 : i32
        %mul3A_121 = arith.muli %add3A_119, %mul3A_120 : i32
        %dma_start3A_122 = arith.constant 0 : i32
        %dma_start3A_123 = arith.constant 0 : i32
        %dma_start3A_124 = tpu.memref_slice %arg3[%mul3A_121, %dma_start3A_123] : memref<16384x2048xf32, #tpu.memory_space<hbm>> -> memref<16x2048xf32, #tpu.memory_space<hbm>>
        %dma_start3A_125 = arith.constant 0 : i32
        %dma_start3A_126 = arith.constant 0 : i32
        %dma_start3A_127 = tpu.memref_slice %arg4[%arg1, %dma_start3A_122, %dma_start3A_125, %dma_start3A_126] : memref<16x3x16x2048xf32, #tpu.memory_space<vmem_shared>> -> memref<1x1x16x2048xf32, #tpu.memory_space<vmem_shared>>
        %dma_start3A_128 = tpu.memref_squeeze %dma_start3A_127 : memref<1x1x16x2048xf32, #tpu.memory_space<vmem_shared>> -> memref<16x2048xf32, #tpu.memory_space<vmem_shared>>
        tpu.enqueue_dma source(%dma_start3A_128 : memref<16x2048xf32, #tpu.memory_space<vmem_shared>>) target(%dma_start3A_124 : memref<16x2048xf32, #tpu.memory_space<hbm>>) target_semaphore(%arg11 : memref<!tpu.dma_semaphore, #tpu.memory_space<semaphore_mem>>)
      } else {
      }
      %mul3A_62 = arith.constant 3 : i32
      %mul3A_63 = arith.muli %scan3A_48, %mul3A_62 : i32
      %add3A_64 = arith.constant 1 : i32
      %add3A_65 = arith.addi %mul3A_63, %add3A_64 : i32
      %add3A_66 = arith.constant 1 : i32
      %add3A_67 = arith.addi %add3A_65, %add3A_66 : i32
      %lt3A_68 = arith.constant 32 : i32
      %lt3A_69 = arith.cmpi slt, %add3A_67, %lt3A_68 : i32
      %convert_element_type3A_70 = arith.extui %lt3A_69 : i1 to i32
      %cond3A_71 = arith.constant 0 : i32
      %cond3A_72 = arith.cmpi ne, %convert_element_type3A_70, %cond3A_71 : i32
      scf.if %cond3A_72 {
        %ge3A = arith.constant 3 : i32
        %ge3A_94 = arith.cmpi sge, %add3A_67, %ge3A : i32
        %convert_element_type3A_95 = arith.extui %ge3A_94 : i1 to i32
        %cond3A_96 = arith.constant 0 : i32
        %cond3A_97 = arith.cmpi ne, %convert_element_type3A_95, %cond3A_96 : i32
        scf.if %cond3A_97 {
          %sub3A = arith.constant 3 : i32
          %sub3A_110 = arith.subi %add3A_67, %sub3A : i32
          %mul3A_111 = arith.constant 32 : i32
          %mul3A_112 = arith.muli %sub3A_110, %mul3A_111 : i32
          %add3A_113 = arith.addi %mul3A_112, %add3A : i32
          %mul3A_114 = arith.constant 16 : i32
          %mul3A_115 = arith.muli %add3A_113, %mul3A_114 : i32
          %dma_wait3A_116 = arith.constant 2 : i32
          %dma_wait3A_117 = arith.constant 0 : i32
          %dma_wait3A_118 = tpu.memref_slice %arg3[%mul3A_115, %dma_wait3A_117] : memref<16384x2048xf32, #tpu.memory_space<hbm>> -> memref<16x2048xf32, #tpu.memory_space<hbm>>
          %dma_wait3A_119 = arith.constant 0 : i32
          %dma_wait3A_120 = arith.constant 0 : i32
          %dma_wait3A_121 = tpu.memref_slice %arg4[%arg1, %dma_wait3A_116, %dma_wait3A_119, %dma_wait3A_120] : memref<16x3x16x2048xf32, #tpu.memory_space<vmem_shared>> -> memref<1x1x16x2048xf32, #tpu.memory_space<vmem_shared>>
          %dma_wait3A_122 = tpu.memref_squeeze %dma_wait3A_121 : memref<1x1x16x2048xf32, #tpu.memory_space<vmem_shared>> -> memref<16x2048xf32, #tpu.memory_space<vmem_shared>>
          tpu.wait_dma2 semaphore(%arg13 : memref<!tpu.dma_semaphore, #tpu.memory_space<semaphore_mem>>) src(%dma_wait3A_122 : memref<16x2048xf32, #tpu.memory_space<vmem_shared>>) dst(%dma_wait3A_118 : memref<16x2048xf32, #tpu.memory_space<hbm>>)
        } else {
        }
        %mul3A_98 = arith.constant 32 : i32
        %mul3A_99 = arith.muli %add3A_67, %mul3A_98 : i32
        %add3A_100 = arith.addi %mul3A_99, %add3A : i32
        %mul3A_101 = arith.constant 16 : i32
        %mul3A_102 = arith.muli %add3A_100, %mul3A_101 : i32
        %dma_start3A_103 = arith.constant 2 : i32
        %dma_start3A_104 = arith.constant 0 : i32
        %dma_start3A_105 = arith.constant 0 : i32
        %dma_start3A_106 = tpu.memref_slice %arg4[%arg1, %dma_start3A_103, %dma_start3A_104, %dma_start3A_105] : memref<16x3x16x2048xf32, #tpu.memory_space<vmem_shared>> -> memref<1x1x16x2048xf32, #tpu.memory_space<vmem_shared>>
        %dma_start3A_107 = tpu.memref_squeeze %dma_start3A_106 : memref<1x1x16x2048xf32, #tpu.memory_space<vmem_shared>> -> memref<16x2048xf32, #tpu.memory_space<vmem_shared>>
        %dma_start3A_108 = arith.constant 0 : i32
        %dma_start3A_109 = tpu.memref_slice %arg2[%mul3A_102, %dma_start3A_108] : memref<16384x2048xf32, #tpu.memory_space<hbm>> -> memref<16x2048xf32, #tpu.memory_space<hbm>>
        tpu.enqueue_dma source(%dma_start3A_109 : memref<16x2048xf32, #tpu.memory_space<hbm>>) target(%dma_start3A_107 : memref<16x2048xf32, #tpu.memory_space<vmem_shared>>) target_semaphore(%arg10 : memref<!tpu.dma_semaphore, #tpu.memory_space<semaphore_mem>>)
      } else {
      }
      %lt3A_73 = arith.constant 32 : i32
      %lt3A_74 = arith.cmpi slt, %add3A_65, %lt3A_73 : i32
      %convert_element_type3A_75 = arith.extui %lt3A_74 : i1 to i32
      %cond3A_76 = arith.constant 0 : i32
      %cond3A_77 = arith.cmpi ne, %convert_element_type3A_75, %cond3A_76 : i32
      scf.if %cond3A_77 {
        %mul3A_94 = arith.constant 32 : i32
        %mul3A_95 = arith.muli %add3A_65, %mul3A_94 : i32
        %add3A_96 = arith.addi %mul3A_95, %add3A : i32
        %mul3A_97 = arith.constant 16 : i32
        %mul3A_98 = arith.muli %add3A_96, %mul3A_97 : i32
        %dma_wait3A_99 = arith.constant 1 : i32
        %dma_wait3A_100 = arith.constant 0 : i32
        %dma_wait3A_101 = arith.constant 0 : i32
        %dma_wait3A_102 = tpu.memref_slice %arg4[%arg1, %dma_wait3A_99, %dma_wait3A_100, %dma_wait3A_101] : memref<16x3x16x2048xf32, #tpu.memory_space<vmem_shared>> -> memref<1x1x16x2048xf32, #tpu.memory_space<vmem_shared>>
        %dma_wait3A_103 = tpu.memref_squeeze %dma_wait3A_102 : memref<1x1x16x2048xf32, #tpu.memory_space<vmem_shared>> -> memref<16x2048xf32, #tpu.memory_space<vmem_shared>>
        %dma_wait3A_104 = arith.constant 0 : i32
        %dma_wait3A_105 = tpu.memref_slice %arg2[%mul3A_98, %dma_wait3A_104] : memref<16384x2048xf32, #tpu.memory_space<hbm>> -> memref<16x2048xf32, #tpu.memory_space<hbm>>
        tpu.wait_dma2 semaphore(%arg9 : memref<!tpu.dma_semaphore, #tpu.memory_space<semaphore_mem>>) src(%dma_wait3A_105 : memref<16x2048xf32, #tpu.memory_space<hbm>>) dst(%dma_wait3A_103 : memref<16x2048xf32, #tpu.memory_space<vmem_shared>>)
        %run_scoped3A = arith.constant 1 : i32
        "tpu.region"() ({
          %run_scoped3A_129 = tpu.sem_alloc : memref<!tpu.dma_semaphore, #tpu.memory_space<semaphore_mem>>
          %dma_start3A_130 = arith.constant 0 : i32
          %dma_start3A_131 = arith.constant 128 : i32
          %dma_start3A_132 = tpu.memref_slice %arg4[%arg1, %run_scoped3A, %dma_start3A_130, %dma_start3A_131] : memref<16x3x16x2048xf32, #tpu.memory_space<vmem_shared>> -> memref<1x1x16x128xf32, #tpu.memory_space<vmem_shared>>
          %dma_start3A_133 = tpu.memref_squeeze %dma_start3A_132 : memref<1x1x16x128xf32, #tpu.memory_space<vmem_shared>> -> memref<16x128xf32, #tpu.memory_space<vmem_shared>>
          %dma_start3A_134 = arith.constant 0 : i32
          %dma_start3A_135 = arith.constant 128 : i32
          %dma_start3A_136 = tpu.memref_slice %arg4[%arg1, %run_scoped3A, %dma_start3A_134, %dma_start3A_135] : memref<16x3x16x2048xf32, #tpu.memory_space<vmem_shared>> -> memref<1x1x16x128xf32, #tpu.memory_space<vmem_shared>>
          %dma_start3A_137 = tpu.memref_squeeze %dma_start3A_136 : memref<1x1x16x128xf32, #tpu.memory_space<vmem_shared>> -> memref<16x128xf32, #tpu.memory_space<vmem_shared>>
          tpu.enqueue_dma source(%dma_start3A_137 : memref<16x128xf32, #tpu.memory_space<vmem_shared>>) target(%arg5 : memref<16x128xf32, #tpu.memory_space<vmem>>) target_semaphore(%run_scoped3A_129 : memref<!tpu.dma_semaphore, #tpu.memory_space<semaphore_mem>>)
          %dma_wait3A_138 = arith.constant 0 : i32
          %dma_wait3A_139 = arith.constant 128 : i32
          %dma_wait3A_140 = tpu.memref_slice %arg4[%arg1, %run_scoped3A, %dma_wait3A_138, %dma_wait3A_139] : memref<16x3x16x2048xf32, #tpu.memory_space<vmem_shared>> -> memref<1x1x16x128xf32, #tpu.memory_space<vmem_shared>>
          %dma_wait3A_141 = tpu.memref_squeeze %dma_wait3A_140 : memref<1x1x16x128xf32, #tpu.memory_space<vmem_shared>> -> memref<16x128xf32, #tpu.memory_space<vmem_shared>>
          %dma_wait3A_142 = arith.constant 0 : i32
          %dma_wait3A_143 = arith.constant 128 : i32
          %dma_wait3A_144 = tpu.memref_slice %arg4[%arg1, %run_scoped3A, %dma_wait3A_142, %dma_wait3A_143] : memref<16x3x16x2048xf32, #tpu.memory_space<vmem_shared>> -> memref<1x1x16x128xf32, #tpu.memory_space<vmem_shared>>
          %dma_wait3A_145 = tpu.memref_squeeze %dma_wait3A_144 : memref<1x1x16x128xf32, #tpu.memory_space<vmem_shared>> -> memref<16x128xf32, #tpu.memory_space<vmem_shared>>
          tpu.wait_dma2 semaphore(%run_scoped3A_129 : memref<!tpu.dma_semaphore, #tpu.memory_space<semaphore_mem>>) src(%dma_wait3A_145 : memref<16x128xf32, #tpu.memory_space<vmem_shared>>) dst(%arg5 : memref<16x128xf32, #tpu.memory_space<vmem>>)
          tpu.yield
        }) : () -> ()
        %run_scoped3A_106 = arith.constant 1 : i32
        "tpu.region"() ({
          %run_scoped3A_129 = tpu.sem_alloc : memref<!tpu.dma_semaphore, #tpu.memory_space<semaphore_mem>>
          %dma_start3A_130 = arith.constant 0 : i32
          %dma_start3A_131 = arith.constant 1024 : i32
          %dma_start3A_132 = tpu.memref_slice %arg4[%arg1, %run_scoped3A_106, %dma_start3A_130, %dma_start3A_131] : memref<16x3x16x2048xf32, #tpu.memory_space<vmem_shared>> -> memref<1x1x16x128xf32, #tpu.memory_space<vmem_shared>>
          %dma_start3A_133 = tpu.memref_squeeze %dma_start3A_132 : memref<1x1x16x128xf32, #tpu.memory_space<vmem_shared>> -> memref<16x128xf32, #tpu.memory_space<vmem_shared>>
          %dma_start3A_134 = arith.constant 0 : i32
          %dma_start3A_135 = arith.constant 1024 : i32
          %dma_start3A_136 = tpu.memref_slice %arg4[%arg1, %run_scoped3A_106, %dma_start3A_134, %dma_start3A_135] : memref<16x3x16x2048xf32, #tpu.memory_space<vmem_shared>> -> memref<1x1x16x128xf32, #tpu.memory_space<vmem_shared>>
          %dma_start3A_137 = tpu.memref_squeeze %dma_start3A_136 : memref<1x1x16x128xf32, #tpu.memory_space<vmem_shared>> -> memref<16x128xf32, #tpu.memory_space<vmem_shared>>
          tpu.enqueue_dma source(%dma_start3A_137 : memref<16x128xf32, #tpu.memory_space<vmem_shared>>) target(%arg6 : memref<16x128xf32, #tpu.memory_space<vmem>>) target_semaphore(%run_scoped3A_129 : memref<!tpu.dma_semaphore, #tpu.memory_space<semaphore_mem>>)
          %dma_wait3A_138 = arith.constant 0 : i32
          %dma_wait3A_139 = arith.constant 1024 : i32
          %dma_wait3A_140 = tpu.memref_slice %arg4[%arg1, %run_scoped3A_106, %dma_wait3A_138, %dma_wait3A_139] : memref<16x3x16x2048xf32, #tpu.memory_space<vmem_shared>> -> memref<1x1x16x128xf32, #tpu.memory_space<vmem_shared>>
          %dma_wait3A_141 = tpu.memref_squeeze %dma_wait3A_140 : memref<1x1x16x128xf32, #tpu.memory_space<vmem_shared>> -> memref<16x128xf32, #tpu.memory_space<vmem_shared>>
          %dma_wait3A_142 = arith.constant 0 : i32
          %dma_wait3A_143 = arith.constant 1024 : i32
          %dma_wait3A_144 = tpu.memref_slice %arg4[%arg1, %run_scoped3A_106, %dma_wait3A_142, %dma_wait3A_143] : memref<16x3x16x2048xf32, #tpu.memory_space<vmem_shared>> -> memref<1x1x16x128xf32, #tpu.memory_space<vmem_shared>>
          %dma_wait3A_145 = tpu.memref_squeeze %dma_wait3A_144 : memref<1x1x16x128xf32, #tpu.memory_space<vmem_shared>> -> memref<16x128xf32, #tpu.memory_space<vmem_shared>>
          tpu.wait_dma2 semaphore(%run_scoped3A_129 : memref<!tpu.dma_semaphore, #tpu.memory_space<semaphore_mem>>) src(%dma_wait3A_145 : memref<16x128xf32, #tpu.memory_space<vmem_shared>>) dst(%arg6 : memref<16x128xf32, #tpu.memory_space<vmem>>)
          tpu.yield
        }) : () -> ()
        %run_scoped3A_107 = arith.constant 1 : i32
        "tpu.region"() ({
          %run_scoped3A_129 = tpu.sem_alloc : memref<!tpu.dma_semaphore, #tpu.memory_space<semaphore_mem>>
          %dma_start3A_130 = arith.constant 0 : i32
          %dma_start3A_131 = arith.constant 1280 : i32
          %dma_start3A_132 = tpu.memref_slice %arg4[%arg1, %run_scoped3A_107, %dma_start3A_130, %dma_start3A_131] : memref<16x3x16x2048xf32, #tpu.memory_space<vmem_shared>> -> memref<1x1x16x128xf32, #tpu.memory_space<vmem_shared>>
          %dma_start3A_133 = tpu.memref_squeeze %dma_start3A_132 : memref<1x1x16x128xf32, #tpu.memory_space<vmem_shared>> -> memref<16x128xf32, #tpu.memory_space<vmem_shared>>
          %dma_start3A_134 = arith.constant 0 : i32
          %dma_start3A_135 = arith.constant 1280 : i32
          %dma_start3A_136 = tpu.memref_slice %arg4[%arg1, %run_scoped3A_107, %dma_start3A_134, %dma_start3A_135] : memref<16x3x16x2048xf32, #tpu.memory_space<vmem_shared>> -> memref<1x1x16x128xf32, #tpu.memory_space<vmem_shared>>
          %dma_start3A_137 = tpu.memref_squeeze %dma_start3A_136 : memref<1x1x16x128xf32, #tpu.memory_space<vmem_shared>> -> memref<16x128xf32, #tpu.memory_space<vmem_shared>>
          tpu.enqueue_dma source(%dma_start3A_137 : memref<16x128xf32, #tpu.memory_space<vmem_shared>>) target(%arg7 : memref<16x128xf32, #tpu.memory_space<vmem>>) target_semaphore(%run_scoped3A_129 : memref<!tpu.dma_semaphore, #tpu.memory_space<semaphore_mem>>)
          %dma_wait3A_138 = arith.constant 0 : i32
          %dma_wait3A_139 = arith.constant 1280 : i32
          %dma_wait3A_140 = tpu.memref_slice %arg4[%arg1, %run_scoped3A_107, %dma_wait3A_138, %dma_wait3A_139] : memref<16x3x16x2048xf32, #tpu.memory_space<vmem_shared>> -> memref<1x1x16x128xf32, #tpu.memory_space<vmem_shared>>
          %dma_wait3A_141 = tpu.memref_squeeze %dma_wait3A_140 : memref<1x1x16x128xf32, #tpu.memory_space<vmem_shared>> -> memref<16x128xf32, #tpu.memory_space<vmem_shared>>
          %dma_wait3A_142 = arith.constant 0 : i32
          %dma_wait3A_143 = arith.constant 1280 : i32
          %dma_wait3A_144 = tpu.memref_slice %arg4[%arg1, %run_scoped3A_107, %dma_wait3A_142, %dma_wait3A_143] : memref<16x3x16x2048xf32, #tpu.memory_space<vmem_shared>> -> memref<1x1x16x128xf32, #tpu.memory_space<vmem_shared>>
          %dma_wait3A_145 = tpu.memref_squeeze %dma_wait3A_144 : memref<1x1x16x128xf32, #tpu.memory_space<vmem_shared>> -> memref<16x128xf32, #tpu.memory_space<vmem_shared>>
          tpu.wait_dma2 semaphore(%run_scoped3A_129 : memref<!tpu.dma_semaphore, #tpu.memory_space<semaphore_mem>>) src(%dma_wait3A_145 : memref<16x128xf32, #tpu.memory_space<vmem_shared>>) dst(%arg7 : memref<16x128xf32, #tpu.memory_space<vmem>>)
          tpu.yield
        }) : () -> ()
        %scan3A_108 = arith.constant 0 : i32
        %scan3A_109 = arith.constant 0 : i32
        %scan3A_110 = arith.constant 16 : i32
        %scan3A_111 = arith.addi %scan3A_109, %scan3A_110 : i32
        %scan3A_112 = arith.constant 1 : i32
        scf.for %scan3A_129 = %scan3A_109 to %scan3A_111 step %scan3A_112  : i32 {
          %get3A = arith.index_cast %scan3A_129 : i32 to index
          %get3A_130 = arith.constant 32 : index
          %get3A_131 = tpu.vector_load %arg5[%get3A, %get3A_130] {strides = array<i32>} : memref<16x128xf32, #tpu.memory_space<vmem>>, vector<1x16xf32>,
          %get3A_132 = vector.shape_cast %get3A_131 : vector<1x16xf32> to vector<16xf32>
          %broadcast_in_dim3A = arith.constant 1.000000e+00 : f32
          %broadcast_in_dim3A_133 = vector.broadcast %broadcast_in_dim3A : f32 to vector<16xf32>
          %eq3A = arith.constant 2 : i32
          %eq3A_134 = vector.broadcast %eq3A : i32 to vector<16xi32>
          %eq3A_135 = arith.cmpi eq, %iota3A, %eq3A_134 : vector<16xi32>
          %jit3A = arith.constant 0.000000e+00 : f32
          %broadcast_in_dim3A_136 = vector.broadcast %jit3A : f32 to vector<16xf32>
          %select_n3A = arith.select %eq3A_135, %broadcast_in_dim3A_136, %broadcast_in_dim3A_133 : vector<16xi1>, vector<16xf32>
          %mul3A_137 = arith.mulf %get3A_132, %select_n3A : vector<16xf32>
          %swap3A = arith.index_cast %scan3A_129 : i32 to index
          %swap3A_138 = arith.constant 32 : index
          %swap3A_139 = tpu.vector_load %arg5[%swap3A, %swap3A_138] {strides = array<i32>} : memref<16x128xf32, #tpu.memory_space<vmem>>, vector<1x16xf32>,
          %swap3A_140 = vector.shape_cast %swap3A_139 : vector<1x16xf32> to vector<16xf32>
          %swap3A_141 = vector.shape_cast %mul3A_137 : vector<16xf32> to vector<1x16xf32>
          tpu.vector_store %arg5[%swap3A, %swap3A_138], %swap3A_141 {strides = array<i32>} : memref<16x128xf32, #tpu.memory_space<vmem>>, vector<1x16xf32>,
          %get3A_142 = arith.index_cast %scan3A_129 : i32 to index
          %get3A_143 = arith.constant 64 : index
          %get3A_144 = tpu.vector_load %arg6[%get3A_142, %get3A_143] {strides = array<i32>} : memref<16x128xf32, #tpu.memory_space<vmem>>, vector<1x16xf32>,
          %get3A_145 = vector.shape_cast %get3A_144 : vector<1x16xf32> to vector<16xf32>
          %broadcast_in_dim3A_146 = arith.constant 1.000000e+00 : f32
          %broadcast_in_dim3A_147 = vector.broadcast %broadcast_in_dim3A_146 : f32 to vector<16xf32>
          %eq3A_148 = arith.constant 10 : i32
          %eq3A_149 = vector.broadcast %eq3A_148 : i32 to vector<16xi32>
          %eq3A_150 = arith.cmpi eq, %iota3A, %eq3A_149 : vector<16xi32>
          %jit3A_151 = arith.constant 0.000000e+00 : f32
          %broadcast_in_dim3A_152 = vector.broadcast %jit3A_151 : f32 to vector<16xf32>
          %select_n3A_153 = arith.select %eq3A_150, %broadcast_in_dim3A_152, %broadcast_in_dim3A_147 : vector<16xi1>, vector<16xf32>
          %mul3A_154 = arith.mulf %get3A_145, %select_n3A_153 : vector<16xf32>
          %swap3A_155 = arith.index_cast %scan3A_129 : i32 to index
          %swap3A_156 = arith.constant 64 : index
          %swap3A_157 = tpu.vector_load %arg6[%swap3A_155, %swap3A_156] {strides = array<i32>} : memref<16x128xf32, #tpu.memory_space<vmem>>, vector<1x16xf32>,
          %swap3A_158 = vector.shape_cast %swap3A_157 : vector<1x16xf32> to vector<16xf32>
          %swap3A_159 = vector.shape_cast %mul3A_154 : vector<16xf32> to vector<1x16xf32>
          tpu.vector_store %arg6[%swap3A_155, %swap3A_156], %swap3A_159 {strides = array<i32>} : memref<16x128xf32, #tpu.memory_space<vmem>>, vector<1x16xf32>,
          %get3A_160 = arith.index_cast %scan3A_129 : i32 to index
          %get3A_161 = arith.constant 96 : index
          %get3A_162 = tpu.vector_load %arg7[%get3A_160, %get3A_161] {strides = array<i32>} : memref<16x128xf32, #tpu.memory_space<vmem>>, vector<1x16xf32>,
          %get3A_163 = vector.shape_cast %get3A_162 : vector<1x16xf32> to vector<16xf32>
          %broadcast_in_dim3A_164 = arith.constant 1.000000e+00 : f32
          %broadcast_in_dim3A_165 = vector.broadcast %broadcast_in_dim3A_164 : f32 to vector<16xf32>
          %eq3A_166 = arith.constant 1 : i32
          %eq3A_167 = vector.broadcast %eq3A_166 : i32 to vector<16xi32>
          %eq3A_168 = arith.cmpi eq, %iota3A, %eq3A_167 : vector<16xi32>
          %jit3A_169 = arith.constant 0.000000e+00 : f32
          %broadcast_in_dim3A_170 = vector.broadcast %jit3A_169 : f32 to vector<16xf32>
          %select_n3A_171 = arith.select %eq3A_168, %broadcast_in_dim3A_170, %broadcast_in_dim3A_165 : vector<16xi1>, vector<16xf32>
          %mul3A_172 = arith.mulf %get3A_163, %select_n3A_171 : vector<16xf32>
          %swap3A_173 = arith.index_cast %scan3A_129 : i32 to index
          %swap3A_174 = arith.constant 96 : index
          %swap3A_175 = tpu.vector_load %arg7[%swap3A_173, %swap3A_174] {strides = array<i32>} : memref<16x128xf32, #tpu.memory_space<vmem>>, vector<1x16xf32>,
          %swap3A_176 = vector.shape_cast %swap3A_175 : vector<1x16xf32> to vector<16xf32>
          %swap3A_177 = vector.shape_cast %mul3A_172 : vector<16xf32> to vector<1x16xf32>
          tpu.vector_store %arg7[%swap3A_173, %swap3A_174], %swap3A_177 {strides = array<i32>} : memref<16x128xf32, #tpu.memory_space<vmem>>, vector<1x16xf32>,
        }
        %scan3A_113 = arith.constant 16 : i32
        %run_scoped3A_114 = arith.constant 1 : i32
        "tpu.region"() ({
          %run_scoped3A_129 = tpu.sem_alloc : memref<!tpu.dma_semaphore, #tpu.memory_space<semaphore_mem>>
          %dma_start3A_130 = arith.constant 0 : i32
          %dma_start3A_131 = arith.constant 128 : i32
          %dma_start3A_132 = tpu.memref_slice %arg4[%arg1, %run_scoped3A_114, %dma_start3A_130, %dma_start3A_131] : memref<16x3x16x2048xf32, #tpu.memory_space<vmem_shared>> -> memref<1x1x16x128xf32, #tpu.memory_space<vmem_shared>>
          %dma_start3A_133 = tpu.memref_squeeze %dma_start3A_132 : memref<1x1x16x128xf32, #tpu.memory_space<vmem_shared>> -> memref<16x128xf32, #tpu.memory_space<vmem_shared>>
          %dma_start3A_134 = arith.constant 0 : i32
          %dma_start3A_135 = arith.constant 128 : i32
          %dma_start3A_136 = tpu.memref_slice %arg4[%arg1, %run_scoped3A_114, %dma_start3A_134, %dma_start3A_135] : memref<16x3x16x2048xf32, #tpu.memory_space<vmem_shared>> -> memref<1x1x16x128xf32, #tpu.memory_space<vmem_shared>>
          %dma_start3A_137 = tpu.memref_squeeze %dma_start3A_136 : memref<1x1x16x128xf32, #tpu.memory_space<vmem_shared>> -> memref<16x128xf32, #tpu.memory_space<vmem_shared>>
          tpu.enqueue_dma source(%arg5 : memref<16x128xf32, #tpu.memory_space<vmem>>) target(%dma_start3A_137 : memref<16x128xf32, #tpu.memory_space<vmem_shared>>) target_semaphore(%run_scoped3A_129 : memref<!tpu.dma_semaphore, #tpu.memory_space<semaphore_mem>>)
          %dma_wait3A_138 = arith.constant 0 : i32
          %dma_wait3A_139 = arith.constant 128 : i32
          %dma_wait3A_140 = tpu.memref_slice %arg4[%arg1, %run_scoped3A_114, %dma_wait3A_138, %dma_wait3A_139] : memref<16x3x16x2048xf32, #tpu.memory_space<vmem_shared>> -> memref<1x1x16x128xf32, #tpu.memory_space<vmem_shared>>
          %dma_wait3A_141 = tpu.memref_squeeze %dma_wait3A_140 : memref<1x1x16x128xf32, #tpu.memory_space<vmem_shared>> -> memref<16x128xf32, #tpu.memory_space<vmem_shared>>
          %dma_wait3A_142 = arith.constant 0 : i32
          %dma_wait3A_143 = arith.constant 128 : i32
          %dma_wait3A_144 = tpu.memref_slice %arg4[%arg1, %run_scoped3A_114, %dma_wait3A_142, %dma_wait3A_143] : memref<16x3x16x2048xf32, #tpu.memory_space<vmem_shared>> -> memref<1x1x16x128xf32, #tpu.memory_space<vmem_shared>>
          %dma_wait3A_145 = tpu.memref_squeeze %dma_wait3A_144 : memref<1x1x16x128xf32, #tpu.memory_space<vmem_shared>> -> memref<16x128xf32, #tpu.memory_space<vmem_shared>>
          tpu.wait_dma2 semaphore(%run_scoped3A_129 : memref<!tpu.dma_semaphore, #tpu.memory_space<semaphore_mem>>) src(%arg5 : memref<16x128xf32, #tpu.memory_space<vmem>>) dst(%dma_wait3A_145 : memref<16x128xf32, #tpu.memory_space<vmem_shared>>)
          tpu.yield
        }) : () -> ()
        %run_scoped3A_115 = arith.constant 1 : i32
        "tpu.region"() ({
          %run_scoped3A_129 = tpu.sem_alloc : memref<!tpu.dma_semaphore, #tpu.memory_space<semaphore_mem>>
          %dma_start3A_130 = arith.constant 0 : i32
          %dma_start3A_131 = arith.constant 1024 : i32
          %dma_start3A_132 = tpu.memref_slice %arg4[%arg1, %run_scoped3A_115, %dma_start3A_130, %dma_start3A_131] : memref<16x3x16x2048xf32, #tpu.memory_space<vmem_shared>> -> memref<1x1x16x128xf32, #tpu.memory_space<vmem_shared>>
          %dma_start3A_133 = tpu.memref_squeeze %dma_start3A_132 : memref<1x1x16x128xf32, #tpu.memory_space<vmem_shared>> -> memref<16x128xf32, #tpu.memory_space<vmem_shared>>
          %dma_start3A_134 = arith.constant 0 : i32
          %dma_start3A_135 = arith.constant 1024 : i32
          %dma_start3A_136 = tpu.memref_slice %arg4[%arg1, %run_scoped3A_115, %dma_start3A_134, %dma_start3A_135] : memref<16x3x16x2048xf32, #tpu.memory_space<vmem_shared>> -> memref<1x1x16x128xf32, #tpu.memory_space<vmem_shared>>
          %dma_start3A_137 = tpu.memref_squeeze %dma_start3A_136 : memref<1x1x16x128xf32, #tpu.memory_space<vmem_shared>> -> memref<16x128xf32, #tpu.memory_space<vmem_shared>>
          tpu.enqueue_dma source(%arg6 : memref<16x128xf32, #tpu.memory_space<vmem>>) target(%dma_start3A_137 : memref<16x128xf32, #tpu.memory_space<vmem_shared>>) target_semaphore(%run_scoped3A_129 : memref<!tpu.dma_semaphore, #tpu.memory_space<semaphore_mem>>)
          %dma_wait3A_138 = arith.constant 0 : i32
          %dma_wait3A_139 = arith.constant 1024 : i32
          %dma_wait3A_140 = tpu.memref_slice %arg4[%arg1, %run_scoped3A_115, %dma_wait3A_138, %dma_wait3A_139] : memref<16x3x16x2048xf32, #tpu.memory_space<vmem_shared>> -> memref<1x1x16x128xf32, #tpu.memory_space<vmem_shared>>
          %dma_wait3A_141 = tpu.memref_squeeze %dma_wait3A_140 : memref<1x1x16x128xf32, #tpu.memory_space<vmem_shared>> -> memref<16x128xf32, #tpu.memory_space<vmem_shared>>
          %dma_wait3A_142 = arith.constant 0 : i32
          %dma_wait3A_143 = arith.constant 1024 : i32
          %dma_wait3A_144 = tpu.memref_slice %arg4[%arg1, %run_scoped3A_115, %dma_wait3A_142, %dma_wait3A_143] : memref<16x3x16x2048xf32, #tpu.memory_space<vmem_shared>> -> memref<1x1x16x128xf32, #tpu.memory_space<vmem_shared>>
          %dma_wait3A_145 = tpu.memref_squeeze %dma_wait3A_144 : memref<1x1x16x128xf32, #tpu.memory_space<vmem_shared>> -> memref<16x128xf32, #tpu.memory_space<vmem_shared>>
          tpu.wait_dma2 semaphore(%run_scoped3A_129 : memref<!tpu.dma_semaphore, #tpu.memory_space<semaphore_mem>>) src(%arg6 : memref<16x128xf32, #tpu.memory_space<vmem>>) dst(%dma_wait3A_145 : memref<16x128xf32, #tpu.memory_space<vmem_shared>>)
          tpu.yield
        }) : () -> ()
        %run_scoped3A_116 = arith.constant 1 : i32
        "tpu.region"() ({
          %run_scoped3A_129 = tpu.sem_alloc : memref<!tpu.dma_semaphore, #tpu.memory_space<semaphore_mem>>
          %dma_start3A_130 = arith.constant 0 : i32
          %dma_start3A_131 = arith.constant 1280 : i32
          %dma_start3A_132 = tpu.memref_slice %arg4[%arg1, %run_scoped3A_116, %dma_start3A_130, %dma_start3A_131] : memref<16x3x16x2048xf32, #tpu.memory_space<vmem_shared>> -> memref<1x1x16x128xf32, #tpu.memory_space<vmem_shared>>
          %dma_start3A_133 = tpu.memref_squeeze %dma_start3A_132 : memref<1x1x16x128xf32, #tpu.memory_space<vmem_shared>> -> memref<16x128xf32, #tpu.memory_space<vmem_shared>>
          %dma_start3A_134 = arith.constant 0 : i32
          %dma_start3A_135 = arith.constant 1280 : i32
          %dma_start3A_136 = tpu.memref_slice %arg4[%arg1, %run_scoped3A_116, %dma_start3A_134, %dma_start3A_135] : memref<16x3x16x2048xf32, #tpu.memory_space<vmem_shared>> -> memref<1x1x16x128xf32, #tpu.memory_space<vmem_shared>>
          %dma_start3A_137 = tpu.memref_squeeze %dma_start3A_136 : memref<1x1x16x128xf32, #tpu.memory_space<vmem_shared>> -> memref<16x128xf32, #tpu.memory_space<vmem_shared>>
          tpu.enqueue_dma source(%arg7 : memref<16x128xf32, #tpu.memory_space<vmem>>) target(%dma_start3A_137 : memref<16x128xf32, #tpu.memory_space<vmem_shared>>) target_semaphore(%run_scoped3A_129 : memref<!tpu.dma_semaphore, #tpu.memory_space<semaphore_mem>>)
          %dma_wait3A_138 = arith.constant 0 : i32
          %dma_wait3A_139 = arith.constant 1280 : i32
          %dma_wait3A_140 = tpu.memref_slice %arg4[%arg1, %run_scoped3A_116, %dma_wait3A_138, %dma_wait3A_139] : memref<16x3x16x2048xf32, #tpu.memory_space<vmem_shared>> -> memref<1x1x16x128xf32, #tpu.memory_space<vmem_shared>>
          %dma_wait3A_141 = tpu.memref_squeeze %dma_wait3A_140 : memref<1x1x16x128xf32, #tpu.memory_space<vmem_shared>> -> memref<16x128xf32, #tpu.memory_space<vmem_shared>>
          %dma_wait3A_142 = arith.constant 0 : i32
          %dma_wait3A_143 = arith.constant 1280 : i32
          %dma_wait3A_144 = tpu.memref_slice %arg4[%arg1, %run_scoped3A_116, %dma_wait3A_142, %dma_wait3A_143] : memref<16x3x16x2048xf32, #tpu.memory_space<vmem_shared>> -> memref<1x1x16x128xf32, #tpu.memory_space<vmem_shared>>
          %dma_wait3A_145 = tpu.memref_squeeze %dma_wait3A_144 : memref<1x1x16x128xf32, #tpu.memory_space<vmem_shared>> -> memref<16x128xf32, #tpu.memory_space<vmem_shared>>
          tpu.wait_dma2 semaphore(%run_scoped3A_129 : memref<!tpu.dma_semaphore, #tpu.memory_space<semaphore_mem>>) src(%arg7 : memref<16x128xf32, #tpu.memory_space<vmem>>) dst(%dma_wait3A_145 : memref<16x128xf32, #tpu.memory_space<vmem_shared>>)
          tpu.yield
        }) : () -> ()
        %mul3A_117 = arith.constant 32 : i32
        %mul3A_118 = arith.muli %add3A_65, %mul3A_117 : i32
        %add3A_119 = arith.addi %mul3A_118, %add3A : i32
        %mul3A_120 = arith.constant 16 : i32
        %mul3A_121 = arith.muli %add3A_119, %mul3A_120 : i32
        %dma_start3A_122 = arith.constant 1 : i32
        %dma_start3A_123 = arith.constant 0 : i32
        %dma_start3A_124 = tpu.memref_slice %arg3[%mul3A_121, %dma_start3A_123] : memref<16384x2048xf32, #tpu.memory_space<hbm>> -> memref<16x2048xf32, #tpu.memory_space<hbm>>
        %dma_start3A_125 = arith.constant 0 : i32
        %dma_start3A_126 = arith.constant 0 : i32
        %dma_start3A_127 = tpu.memref_slice %arg4[%arg1, %dma_start3A_122, %dma_start3A_125, %dma_start3A_126] : memref<16x3x16x2048xf32, #tpu.memory_space<vmem_shared>> -> memref<1x1x16x2048xf32, #tpu.memory_space<vmem_shared>>
        %dma_start3A_128 = tpu.memref_squeeze %dma_start3A_127 : memref<1x1x16x2048xf32, #tpu.memory_space<vmem_shared>> -> memref<16x2048xf32, #tpu.memory_space<vmem_shared>>
        tpu.enqueue_dma source(%dma_start3A_128 : memref<16x2048xf32, #tpu.memory_space<vmem_shared>>) target(%dma_start3A_124 : memref<16x2048xf32, #tpu.memory_space<hbm>>) target_semaphore(%arg12 : memref<!tpu.dma_semaphore, #tpu.memory_space<semaphore_mem>>)
      } else {
      }
      %mul3A_78 = arith.constant 3 : i32
      %mul3A_79 = arith.muli %scan3A_48, %mul3A_78 : i32
      %add3A_80 = arith.constant 2 : i32
      %add3A_81 = arith.addi %mul3A_79, %add3A_80 : i32
      %add3A_82 = arith.constant 1 : i32
      %add3A_83 = arith.addi %add3A_81, %add3A_82 : i32
      %lt3A_84 = arith.constant 32 : i32
      %lt3A_85 = arith.cmpi slt, %add3A_83, %lt3A_84 : i32
      %convert_element_type3A_86 = arith.extui %lt3A_85 : i1 to i32
      %cond3A_87 = arith.constant 0 : i32
      %cond3A_88 = arith.cmpi ne, %convert_element_type3A_86, %cond3A_87 : i32
      scf.if %cond3A_88 {
        %ge3A = arith.constant 3 : i32
        %ge3A_94 = arith.cmpi sge, %add3A_83, %ge3A : i32
        %convert_element_type3A_95 = arith.extui %ge3A_94 : i1 to i32
        %cond3A_96 = arith.constant 0 : i32
        %cond3A_97 = arith.cmpi ne, %convert_element_type3A_95, %cond3A_96 : i32
        scf.if %cond3A_97 {
          %sub3A = arith.constant 3 : i32
          %sub3A_110 = arith.subi %add3A_83, %sub3A : i32
          %mul3A_111 = arith.constant 32 : i32
          %mul3A_112 = arith.muli %sub3A_110, %mul3A_111 : i32
          %add3A_113 = arith.addi %mul3A_112, %add3A : i32
          %mul3A_114 = arith.constant 16 : i32
          %mul3A_115 = arith.muli %add3A_113, %mul3A_114 : i32
          %dma_wait3A_116 = arith.constant 0 : i32
          %dma_wait3A_117 = arith.constant 0 : i32
          %dma_wait3A_118 = tpu.memref_slice %arg3[%mul3A_115, %dma_wait3A_117] : memref<16384x2048xf32, #tpu.memory_space<hbm>> -> memref<16x2048xf32, #tpu.memory_space<hbm>>
          %dma_wait3A_119 = arith.constant 0 : i32
          %dma_wait3A_120 = arith.constant 0 : i32
          %dma_wait3A_121 = tpu.memref_slice %arg4[%arg1, %dma_wait3A_116, %dma_wait3A_119, %dma_wait3A_120] : memref<16x3x16x2048xf32, #tpu.memory_space<vmem_shared>> -> memref<1x1x16x2048xf32, #tpu.memory_space<vmem_shared>>
          %dma_wait3A_122 = tpu.memref_squeeze %dma_wait3A_121 : memref<1x1x16x2048xf32, #tpu.memory_space<vmem_shared>> -> memref<16x2048xf32, #tpu.memory_space<vmem_shared>>
          tpu.wait_dma2 semaphore(%arg11 : memref<!tpu.dma_semaphore, #tpu.memory_space<semaphore_mem>>) src(%dma_wait3A_122 : memref<16x2048xf32, #tpu.memory_space<vmem_shared>>) dst(%dma_wait3A_118 : memref<16x2048xf32, #tpu.memory_space<hbm>>)
        } else {
        }
        %mul3A_98 = arith.constant 32 : i32
        %mul3A_99 = arith.muli %add3A_83, %mul3A_98 : i32
        %add3A_100 = arith.addi %mul3A_99, %add3A : i32
        %mul3A_101 = arith.constant 16 : i32
        %mul3A_102 = arith.muli %add3A_100, %mul3A_101 : i32
        %dma_start3A_103 = arith.constant 0 : i32
        %dma_start3A_104 = arith.constant 0 : i32
        %dma_start3A_105 = arith.constant 0 : i32
        %dma_start3A_106 = tpu.memref_slice %arg4[%arg1, %dma_start3A_103, %dma_start3A_104, %dma_start3A_105] : memref<16x3x16x2048xf32, #tpu.memory_space<vmem_shared>> -> memref<1x1x16x2048xf32, #tpu.memory_space<vmem_shared>>
        %dma_start3A_107 = tpu.memref_squeeze %dma_start3A_106 : memref<1x1x16x2048xf32, #tpu.memory_space<vmem_shared>> -> memref<16x2048xf32, #tpu.memory_space<vmem_shared>>
        %dma_start3A_108 = arith.constant 0 : i32
        %dma_start3A_109 = tpu.memref_slice %arg2[%mul3A_102, %dma_start3A_108] : memref<16384x2048xf32, #tpu.memory_space<hbm>> -> memref<16x2048xf32, #tpu.memory_space<hbm>>
        tpu.enqueue_dma source(%dma_start3A_109 : memref<16x2048xf32, #tpu.memory_space<hbm>>) target(%dma_start3A_107 : memref<16x2048xf32, #tpu.memory_space<vmem_shared>>) target_semaphore(%arg8 : memref<!tpu.dma_semaphore, #tpu.memory_space<semaphore_mem>>)
      } else {
      }
      %lt3A_89 = arith.constant 32 : i32
      %lt3A_90 = arith.cmpi slt, %add3A_81, %lt3A_89 : i32
      %convert_element_type3A_91 = arith.extui %lt3A_90 : i1 to i32
      %cond3A_92 = arith.constant 0 : i32
      %cond3A_93 = arith.cmpi ne, %convert_element_type3A_91, %cond3A_92 : i32
      scf.if %cond3A_93 {
        %mul3A_94 = arith.constant 32 : i32
        %mul3A_95 = arith.muli %add3A_81, %mul3A_94 : i32
        %add3A_96 = arith.addi %mul3A_95, %add3A : i32
        %mul3A_97 = arith.constant 16 : i32
        %mul3A_98 = arith.muli %add3A_96, %mul3A_97 : i32
        %dma_wait3A_99 = arith.constant 2 : i32
        %dma_wait3A_100 = arith.constant 0 : i32
        %dma_wait3A_101 = arith.constant 0 : i32
        %dma_wait3A_102 = tpu.memref_slice %arg4[%arg1, %dma_wait3A_99, %dma_wait3A_100, %dma_wait3A_101] : memref<16x3x16x2048xf32, #tpu.memory_space<vmem_shared>> -> memref<1x1x16x2048xf32, #tpu.memory_space<vmem_shared>>
        %dma_wait3A_103 = tpu.memref_squeeze %dma_wait3A_102 : memref<1x1x16x2048xf32, #tpu.memory_space<vmem_shared>> -> memref<16x2048xf32, #tpu.memory_space<vmem_shared>>
        %dma_wait3A_104 = arith.constant 0 : i32
        %dma_wait3A_105 = tpu.memref_slice %arg2[%mul3A_98, %dma_wait3A_104] : memref<16384x2048xf32, #tpu.memory_space<hbm>> -> memref<16x2048xf32, #tpu.memory_space<hbm>>
        tpu.wait_dma2 semaphore(%arg10 : memref<!tpu.dma_semaphore, #tpu.memory_space<semaphore_mem>>) src(%dma_wait3A_105 : memref<16x2048xf32, #tpu.memory_space<hbm>>) dst(%dma_wait3A_103 : memref<16x2048xf32, #tpu.memory_space<vmem_shared>>)
        %run_scoped3A = arith.constant 2 : i32
        "tpu.region"() ({
          %run_scoped3A_129 = tpu.sem_alloc : memref<!tpu.dma_semaphore, #tpu.memory_space<semaphore_mem>>
          %dma_start3A_130 = arith.constant 0 : i32
          %dma_start3A_131 = arith.constant 128 : i32
          %dma_start3A_132 = tpu.memref_slice %arg4[%arg1, %run_scoped3A, %dma_start3A_130, %dma_start3A_131] : memref<16x3x16x2048xf32, #tpu.memory_space<vmem_shared>> -> memref<1x1x16x128xf32, #tpu.memory_space<vmem_shared>>
          %dma_start3A_133 = tpu.memref_squeeze %dma_start3A_132 : memref<1x1x16x128xf32, #tpu.memory_space<vmem_shared>> -> memref<16x128xf32, #tpu.memory_space<vmem_shared>>
          %dma_start3A_134 = arith.constant 0 : i32
          %dma_start3A_135 = arith.constant 128 : i32
          %dma_start3A_136 = tpu.memref_slice %arg4[%arg1, %run_scoped3A, %dma_start3A_134, %dma_start3A_135] : memref<16x3x16x2048xf32, #tpu.memory_space<vmem_shared>> -> memref<1x1x16x128xf32, #tpu.memory_space<vmem_shared>>
          %dma_start3A_137 = tpu.memref_squeeze %dma_start3A_136 : memref<1x1x16x128xf32, #tpu.memory_space<vmem_shared>> -> memref<16x128xf32, #tpu.memory_space<vmem_shared>>
          tpu.enqueue_dma source(%dma_start3A_137 : memref<16x128xf32, #tpu.memory_space<vmem_shared>>) target(%arg5 : memref<16x128xf32, #tpu.memory_space<vmem>>) target_semaphore(%run_scoped3A_129 : memref<!tpu.dma_semaphore, #tpu.memory_space<semaphore_mem>>)
          %dma_wait3A_138 = arith.constant 0 : i32
          %dma_wait3A_139 = arith.constant 128 : i32
          %dma_wait3A_140 = tpu.memref_slice %arg4[%arg1, %run_scoped3A, %dma_wait3A_138, %dma_wait3A_139] : memref<16x3x16x2048xf32, #tpu.memory_space<vmem_shared>> -> memref<1x1x16x128xf32, #tpu.memory_space<vmem_shared>>
          %dma_wait3A_141 = tpu.memref_squeeze %dma_wait3A_140 : memref<1x1x16x128xf32, #tpu.memory_space<vmem_shared>> -> memref<16x128xf32, #tpu.memory_space<vmem_shared>>
          %dma_wait3A_142 = arith.constant 0 : i32
          %dma_wait3A_143 = arith.constant 128 : i32
          %dma_wait3A_144 = tpu.memref_slice %arg4[%arg1, %run_scoped3A, %dma_wait3A_142, %dma_wait3A_143] : memref<16x3x16x2048xf32, #tpu.memory_space<vmem_shared>> -> memref<1x1x16x128xf32, #tpu.memory_space<vmem_shared>>
          %dma_wait3A_145 = tpu.memref_squeeze %dma_wait3A_144 : memref<1x1x16x128xf32, #tpu.memory_space<vmem_shared>> -> memref<16x128xf32, #tpu.memory_space<vmem_shared>>
          tpu.wait_dma2 semaphore(%run_scoped3A_129 : memref<!tpu.dma_semaphore, #tpu.memory_space<semaphore_mem>>) src(%dma_wait3A_145 : memref<16x128xf32, #tpu.memory_space<vmem_shared>>) dst(%arg5 : memref<16x128xf32, #tpu.memory_space<vmem>>)
          tpu.yield
        }) : () -> ()
        %run_scoped3A_106 = arith.constant 2 : i32
        "tpu.region"() ({
          %run_scoped3A_129 = tpu.sem_alloc : memref<!tpu.dma_semaphore, #tpu.memory_space<semaphore_mem>>
          %dma_start3A_130 = arith.constant 0 : i32
          %dma_start3A_131 = arith.constant 1024 : i32
          %dma_start3A_132 = tpu.memref_slice %arg4[%arg1, %run_scoped3A_106, %dma_start3A_130, %dma_start3A_131] : memref<16x3x16x2048xf32, #tpu.memory_space<vmem_shared>> -> memref<1x1x16x128xf32, #tpu.memory_space<vmem_shared>>
          %dma_start3A_133 = tpu.memref_squeeze %dma_start3A_132 : memref<1x1x16x128xf32, #tpu.memory_space<vmem_shared>> -> memref<16x128xf32, #tpu.memory_space<vmem_shared>>
          %dma_start3A_134 = arith.constant 0 : i32
          %dma_start3A_135 = arith.constant 1024 : i32
          %dma_start3A_136 = tpu.memref_slice %arg4[%arg1, %run_scoped3A_106, %dma_start3A_134, %dma_start3A_135] : memref<16x3x16x2048xf32, #tpu.memory_space<vmem_shared>> -> memref<1x1x16x128xf32, #tpu.memory_space<vmem_shared>>
          %dma_start3A_137 = tpu.memref_squeeze %dma_start3A_136 : memref<1x1x16x128xf32, #tpu.memory_space<vmem_shared>> -> memref<16x128xf32, #tpu.memory_space<vmem_shared>>
          tpu.enqueue_dma source(%dma_start3A_137 : memref<16x128xf32, #tpu.memory_space<vmem_shared>>) target(%arg6 : memref<16x128xf32, #tpu.memory_space<vmem>>) target_semaphore(%run_scoped3A_129 : memref<!tpu.dma_semaphore, #tpu.memory_space<semaphore_mem>>)
          %dma_wait3A_138 = arith.constant 0 : i32
          %dma_wait3A_139 = arith.constant 1024 : i32
          %dma_wait3A_140 = tpu.memref_slice %arg4[%arg1, %run_scoped3A_106, %dma_wait3A_138, %dma_wait3A_139] : memref<16x3x16x2048xf32, #tpu.memory_space<vmem_shared>> -> memref<1x1x16x128xf32, #tpu.memory_space<vmem_shared>>
          %dma_wait3A_141 = tpu.memref_squeeze %dma_wait3A_140 : memref<1x1x16x128xf32, #tpu.memory_space<vmem_shared>> -> memref<16x128xf32, #tpu.memory_space<vmem_shared>>
          %dma_wait3A_142 = arith.constant 0 : i32
          %dma_wait3A_143 = arith.constant 1024 : i32
          %dma_wait3A_144 = tpu.memref_slice %arg4[%arg1, %run_scoped3A_106, %dma_wait3A_142, %dma_wait3A_143] : memref<16x3x16x2048xf32, #tpu.memory_space<vmem_shared>> -> memref<1x1x16x128xf32, #tpu.memory_space<vmem_shared>>
          %dma_wait3A_145 = tpu.memref_squeeze %dma_wait3A_144 : memref<1x1x16x128xf32, #tpu.memory_space<vmem_shared>> -> memref<16x128xf32, #tpu.memory_space<vmem_shared>>
          tpu.wait_dma2 semaphore(%run_scoped3A_129 : memref<!tpu.dma_semaphore, #tpu.memory_space<semaphore_mem>>) src(%dma_wait3A_145 : memref<16x128xf32, #tpu.memory_space<vmem_shared>>) dst(%arg6 : memref<16x128xf32, #tpu.memory_space<vmem>>)
          tpu.yield
        }) : () -> ()
        %run_scoped3A_107 = arith.constant 2 : i32
        "tpu.region"() ({
          %run_scoped3A_129 = tpu.sem_alloc : memref<!tpu.dma_semaphore, #tpu.memory_space<semaphore_mem>>
          %dma_start3A_130 = arith.constant 0 : i32
          %dma_start3A_131 = arith.constant 1280 : i32
          %dma_start3A_132 = tpu.memref_slice %arg4[%arg1, %run_scoped3A_107, %dma_start3A_130, %dma_start3A_131] : memref<16x3x16x2048xf32, #tpu.memory_space<vmem_shared>> -> memref<1x1x16x128xf32, #tpu.memory_space<vmem_shared>>
          %dma_start3A_133 = tpu.memref_squeeze %dma_start3A_132 : memref<1x1x16x128xf32, #tpu.memory_space<vmem_shared>> -> memref<16x128xf32, #tpu.memory_space<vmem_shared>>
          %dma_start3A_134 = arith.constant 0 : i32
          %dma_start3A_135 = arith.constant 1280 : i32
          %dma_start3A_136 = tpu.memref_slice %arg4[%arg1, %run_scoped3A_107, %dma_start3A_134, %dma_start3A_135] : memref<16x3x16x2048xf32, #tpu.memory_space<vmem_shared>> -> memref<1x1x16x128xf32, #tpu.memory_space<vmem_shared>>
          %dma_start3A_137 = tpu.memref_squeeze %dma_start3A_136 : memref<1x1x16x128xf32, #tpu.memory_space<vmem_shared>> -> memref<16x128xf32, #tpu.memory_space<vmem_shared>>
          tpu.enqueue_dma source(%dma_start3A_137 : memref<16x128xf32, #tpu.memory_space<vmem_shared>>) target(%arg7 : memref<16x128xf32, #tpu.memory_space<vmem>>) target_semaphore(%run_scoped3A_129 : memref<!tpu.dma_semaphore, #tpu.memory_space<semaphore_mem>>)
          %dma_wait3A_138 = arith.constant 0 : i32
          %dma_wait3A_139 = arith.constant 1280 : i32
          %dma_wait3A_140 = tpu.memref_slice %arg4[%arg1, %run_scoped3A_107, %dma_wait3A_138, %dma_wait3A_139] : memref<16x3x16x2048xf32, #tpu.memory_space<vmem_shared>> -> memref<1x1x16x128xf32, #tpu.memory_space<vmem_shared>>
          %dma_wait3A_141 = tpu.memref_squeeze %dma_wait3A_140 : memref<1x1x16x128xf32, #tpu.memory_space<vmem_shared>> -> memref<16x128xf32, #tpu.memory_space<vmem_shared>>
          %dma_wait3A_142 = arith.constant 0 : i32
          %dma_wait3A_143 = arith.constant 1280 : i32
          %dma_wait3A_144 = tpu.memref_slice %arg4[%arg1, %run_scoped3A_107, %dma_wait3A_142, %dma_wait3A_143] : memref<16x3x16x2048xf32, #tpu.memory_space<vmem_shared>> -> memref<1x1x16x128xf32, #tpu.memory_space<vmem_shared>>
          %dma_wait3A_145 = tpu.memref_squeeze %dma_wait3A_144 : memref<1x1x16x128xf32, #tpu.memory_space<vmem_shared>> -> memref<16x128xf32, #tpu.memory_space<vmem_shared>>
          tpu.wait_dma2 semaphore(%run_scoped3A_129 : memref<!tpu.dma_semaphore, #tpu.memory_space<semaphore_mem>>) src(%dma_wait3A_145 : memref<16x128xf32, #tpu.memory_space<vmem_shared>>) dst(%arg7 : memref<16x128xf32, #tpu.memory_space<vmem>>)
          tpu.yield
        }) : () -> ()
        %scan3A_108 = arith.constant 0 : i32
        %scan3A_109 = arith.constant 0 : i32
        %scan3A_110 = arith.constant 16 : i32
        %scan3A_111 = arith.addi %scan3A_109, %scan3A_110 : i32
        %scan3A_112 = arith.constant 1 : i32
        scf.for %scan3A_129 = %scan3A_109 to %scan3A_111 step %scan3A_112  : i32 {
          %get3A = arith.index_cast %scan3A_129 : i32 to index
          %get3A_130 = arith.constant 32 : index
          %get3A_131 = tpu.vector_load %arg5[%get3A, %get3A_130] {strides = array<i32>} : memref<16x128xf32, #tpu.memory_space<vmem>>, vector<1x16xf32>,
          %get3A_132 = vector.shape_cast %get3A_131 : vector<1x16xf32> to vector<16xf32>
          %broadcast_in_dim3A = arith.constant 1.000000e+00 : f32
          %broadcast_in_dim3A_133 = vector.broadcast %broadcast_in_dim3A : f32 to vector<16xf32>
          %eq3A = arith.constant 2 : i32
          %eq3A_134 = vector.broadcast %eq3A : i32 to vector<16xi32>
          %eq3A_135 = arith.cmpi eq, %iota3A, %eq3A_134 : vector<16xi32>
          %jit3A = arith.constant 0.000000e+00 : f32
          %broadcast_in_dim3A_136 = vector.broadcast %jit3A : f32 to vector<16xf32>
          %select_n3A = arith.select %eq3A_135, %broadcast_in_dim3A_136, %broadcast_in_dim3A_133 : vector<16xi1>, vector<16xf32>
          %mul3A_137 = arith.mulf %get3A_132, %select_n3A : vector<16xf32>
          %swap3A = arith.index_cast %scan3A_129 : i32 to index
          %swap3A_138 = arith.constant 32 : index
          %swap3A_139 = tpu.vector_load %arg5[%swap3A, %swap3A_138] {strides = array<i32>} : memref<16x128xf32, #tpu.memory_space<vmem>>, vector<1x16xf32>,
          %swap3A_140 = vector.shape_cast %swap3A_139 : vector<1x16xf32> to vector<16xf32>
          %swap3A_141 = vector.shape_cast %mul3A_137 : vector<16xf32> to vector<1x16xf32>
          tpu.vector_store %arg5[%swap3A, %swap3A_138], %swap3A_141 {strides = array<i32>} : memref<16x128xf32, #tpu.memory_space<vmem>>, vector<1x16xf32>,
          %get3A_142 = arith.index_cast %scan3A_129 : i32 to index
          %get3A_143 = arith.constant 64 : index
          %get3A_144 = tpu.vector_load %arg6[%get3A_142, %get3A_143] {strides = array<i32>} : memref<16x128xf32, #tpu.memory_space<vmem>>, vector<1x16xf32>,
          %get3A_145 = vector.shape_cast %get3A_144 : vector<1x16xf32> to vector<16xf32>
          %broadcast_in_dim3A_146 = arith.constant 1.000000e+00 : f32
          %broadcast_in_dim3A_147 = vector.broadcast %broadcast_in_dim3A_146 : f32 to vector<16xf32>
          %eq3A_148 = arith.constant 10 : i32
          %eq3A_149 = vector.broadcast %eq3A_148 : i32 to vector<16xi32>
          %eq3A_150 = arith.cmpi eq, %iota3A, %eq3A_149 : vector<16xi32>
          %jit3A_151 = arith.constant 0.000000e+00 : f32
          %broadcast_in_dim3A_152 = vector.broadcast %jit3A_151 : f32 to vector<16xf32>
          %select_n3A_153 = arith.select %eq3A_150, %broadcast_in_dim3A_152, %broadcast_in_dim3A_147 : vector<16xi1>, vector<16xf32>
          %mul3A_154 = arith.mulf %get3A_145, %select_n3A_153 : vector<16xf32>
          %swap3A_155 = arith.index_cast %scan3A_129 : i32 to index
          %swap3A_156 = arith.constant 64 : index
          %swap3A_157 = tpu.vector_load %arg6[%swap3A_155, %swap3A_156] {strides = array<i32>} : memref<16x128xf32, #tpu.memory_space<vmem>>, vector<1x16xf32>,
          %swap3A_158 = vector.shape_cast %swap3A_157 : vector<1x16xf32> to vector<16xf32>
          %swap3A_159 = vector.shape_cast %mul3A_154 : vector<16xf32> to vector<1x16xf32>
          tpu.vector_store %arg6[%swap3A_155, %swap3A_156], %swap3A_159 {strides = array<i32>} : memref<16x128xf32, #tpu.memory_space<vmem>>, vector<1x16xf32>,
          %get3A_160 = arith.index_cast %scan3A_129 : i32 to index
          %get3A_161 = arith.constant 96 : index
          %get3A_162 = tpu.vector_load %arg7[%get3A_160, %get3A_161] {strides = array<i32>} : memref<16x128xf32, #tpu.memory_space<vmem>>, vector<1x16xf32>,
          %get3A_163 = vector.shape_cast %get3A_162 : vector<1x16xf32> to vector<16xf32>
          %broadcast_in_dim3A_164 = arith.constant 1.000000e+00 : f32
          %broadcast_in_dim3A_165 = vector.broadcast %broadcast_in_dim3A_164 : f32 to vector<16xf32>
          %eq3A_166 = arith.constant 1 : i32
          %eq3A_167 = vector.broadcast %eq3A_166 : i32 to vector<16xi32>
          %eq3A_168 = arith.cmpi eq, %iota3A, %eq3A_167 : vector<16xi32>
          %jit3A_169 = arith.constant 0.000000e+00 : f32
          %broadcast_in_dim3A_170 = vector.broadcast %jit3A_169 : f32 to vector<16xf32>
          %select_n3A_171 = arith.select %eq3A_168, %broadcast_in_dim3A_170, %broadcast_in_dim3A_165 : vector<16xi1>, vector<16xf32>
          %mul3A_172 = arith.mulf %get3A_163, %select_n3A_171 : vector<16xf32>
          %swap3A_173 = arith.index_cast %scan3A_129 : i32 to index
          %swap3A_174 = arith.constant 96 : index
          %swap3A_175 = tpu.vector_load %arg7[%swap3A_173, %swap3A_174] {strides = array<i32>} : memref<16x128xf32, #tpu.memory_space<vmem>>, vector<1x16xf32>,
          %swap3A_176 = vector.shape_cast %swap3A_175 : vector<1x16xf32> to vector<16xf32>
          %swap3A_177 = vector.shape_cast %mul3A_172 : vector<16xf32> to vector<1x16xf32>
          tpu.vector_store %arg7[%swap3A_173, %swap3A_174], %swap3A_177 {strides = array<i32>} : memref<16x128xf32, #tpu.memory_space<vmem>>, vector<1x16xf32>,
        }
        %scan3A_113 = arith.constant 16 : i32
        %run_scoped3A_114 = arith.constant 2 : i32
        "tpu.region"() ({
          %run_scoped3A_129 = tpu.sem_alloc : memref<!tpu.dma_semaphore, #tpu.memory_space<semaphore_mem>>
          %dma_start3A_130 = arith.constant 0 : i32
          %dma_start3A_131 = arith.constant 128 : i32
          %dma_start3A_132 = tpu.memref_slice %arg4[%arg1, %run_scoped3A_114, %dma_start3A_130, %dma_start3A_131] : memref<16x3x16x2048xf32, #tpu.memory_space<vmem_shared>> -> memref<1x1x16x128xf32, #tpu.memory_space<vmem_shared>>
          %dma_start3A_133 = tpu.memref_squeeze %dma_start3A_132 : memref<1x1x16x128xf32, #tpu.memory_space<vmem_shared>> -> memref<16x128xf32, #tpu.memory_space<vmem_shared>>
          %dma_start3A_134 = arith.constant 0 : i32
          %dma_start3A_135 = arith.constant 128 : i32
          %dma_start3A_136 = tpu.memref_slice %arg4[%arg1, %run_scoped3A_114, %dma_start3A_134, %dma_start3A_135] : memref<16x3x16x2048xf32, #tpu.memory_space<vmem_shared>> -> memref<1x1x16x128xf32, #tpu.memory_space<vmem_shared>>
          %dma_start3A_137 = tpu.memref_squeeze %dma_start3A_136 : memref<1x1x16x128xf32, #tpu.memory_space<vmem_shared>> -> memref<16x128xf32, #tpu.memory_space<vmem_shared>>
          tpu.enqueue_dma source(%arg5 : memref<16x128xf32, #tpu.memory_space<vmem>>) target(%dma_start3A_137 : memref<16x128xf32, #tpu.memory_space<vmem_shared>>) target_semaphore(%run_scoped3A_129 : memref<!tpu.dma_semaphore, #tpu.memory_space<semaphore_mem>>)
          %dma_wait3A_138 = arith.constant 0 : i32
          %dma_wait3A_139 = arith.constant 128 : i32
          %dma_wait3A_140 = tpu.memref_slice %arg4[%arg1, %run_scoped3A_114, %dma_wait3A_138, %dma_wait3A_139] : memref<16x3x16x2048xf32, #tpu.memory_space<vmem_shared>> -> memref<1x1x16x128xf32, #tpu.memory_space<vmem_shared>>
          %dma_wait3A_141 = tpu.memref_squeeze %dma_wait3A_140 : memref<1x1x16x128xf32, #tpu.memory_space<vmem_shared>> -> memref<16x128xf32, #tpu.memory_space<vmem_shared>>
          %dma_wait3A_142 = arith.constant 0 : i32
          %dma_wait3A_143 = arith.constant 128 : i32
          %dma_wait3A_144 = tpu.memref_slice %arg4[%arg1, %run_scoped3A_114, %dma_wait3A_142, %dma_wait3A_143] : memref<16x3x16x2048xf32, #tpu.memory_space<vmem_shared>> -> memref<1x1x16x128xf32, #tpu.memory_space<vmem_shared>>
          %dma_wait3A_145 = tpu.memref_squeeze %dma_wait3A_144 : memref<1x1x16x128xf32, #tpu.memory_space<vmem_shared>> -> memref<16x128xf32, #tpu.memory_space<vmem_shared>>
          tpu.wait_dma2 semaphore(%run_scoped3A_129 : memref<!tpu.dma_semaphore, #tpu.memory_space<semaphore_mem>>) src(%arg5 : memref<16x128xf32, #tpu.memory_space<vmem>>) dst(%dma_wait3A_145 : memref<16x128xf32, #tpu.memory_space<vmem_shared>>)
          tpu.yield
        }) : () -> ()
        %run_scoped3A_115 = arith.constant 2 : i32
        "tpu.region"() ({
          %run_scoped3A_129 = tpu.sem_alloc : memref<!tpu.dma_semaphore, #tpu.memory_space<semaphore_mem>>
          %dma_start3A_130 = arith.constant 0 : i32
          %dma_start3A_131 = arith.constant 1024 : i32
          %dma_start3A_132 = tpu.memref_slice %arg4[%arg1, %run_scoped3A_115, %dma_start3A_130, %dma_start3A_131] : memref<16x3x16x2048xf32, #tpu.memory_space<vmem_shared>> -> memref<1x1x16x128xf32, #tpu.memory_space<vmem_shared>>
          %dma_start3A_133 = tpu.memref_squeeze %dma_start3A_132 : memref<1x1x16x128xf32, #tpu.memory_space<vmem_shared>> -> memref<16x128xf32, #tpu.memory_space<vmem_shared>>
          %dma_start3A_134 = arith.constant 0 : i32
          %dma_start3A_135 = arith.constant 1024 : i32
          %dma_start3A_136 = tpu.memref_slice %arg4[%arg1, %run_scoped3A_115, %dma_start3A_134, %dma_start3A_135] : memref<16x3x16x2048xf32, #tpu.memory_space<vmem_shared>> -> memref<1x1x16x128xf32, #tpu.memory_space<vmem_shared>>
          %dma_start3A_137 = tpu.memref_squeeze %dma_start3A_136 : memref<1x1x16x128xf32, #tpu.memory_space<vmem_shared>> -> memref<16x128xf32, #tpu.memory_space<vmem_shared>>
          tpu.enqueue_dma source(%arg6 : memref<16x128xf32, #tpu.memory_space<vmem>>) target(%dma_start3A_137 : memref<16x128xf32, #tpu.memory_space<vmem_shared>>) target_semaphore(%run_scoped3A_129 : memref<!tpu.dma_semaphore, #tpu.memory_space<semaphore_mem>>)
          %dma_wait3A_138 = arith.constant 0 : i32
          %dma_wait3A_139 = arith.constant 1024 : i32
          %dma_wait3A_140 = tpu.memref_slice %arg4[%arg1, %run_scoped3A_115, %dma_wait3A_138, %dma_wait3A_139] : memref<16x3x16x2048xf32, #tpu.memory_space<vmem_shared>> -> memref<1x1x16x128xf32, #tpu.memory_space<vmem_shared>>
          %dma_wait3A_141 = tpu.memref_squeeze %dma_wait3A_140 : memref<1x1x16x128xf32, #tpu.memory_space<vmem_shared>> -> memref<16x128xf32, #tpu.memory_space<vmem_shared>>
          %dma_wait3A_142 = arith.constant 0 : i32
          %dma_wait3A_143 = arith.constant 1024 : i32
          %dma_wait3A_144 = tpu.memref_slice %arg4[%arg1, %run_scoped3A_115, %dma_wait3A_142, %dma_wait3A_143] : memref<16x3x16x2048xf32, #tpu.memory_space<vmem_shared>> -> memref<1x1x16x128xf32, #tpu.memory_space<vmem_shared>>
          %dma_wait3A_145 = tpu.memref_squeeze %dma_wait3A_144 : memref<1x1x16x128xf32, #tpu.memory_space<vmem_shared>> -> memref<16x128xf32, #tpu.memory_space<vmem_shared>>
          tpu.wait_dma2 semaphore(%run_scoped3A_129 : memref<!tpu.dma_semaphore, #tpu.memory_space<semaphore_mem>>) src(%arg6 : memref<16x128xf32, #tpu.memory_space<vmem>>) dst(%dma_wait3A_145 : memref<16x128xf32, #tpu.memory_space<vmem_shared>>)
          tpu.yield
        }) : () -> ()
        %run_scoped3A_116 = arith.constant 2 : i32
        "tpu.region"() ({
          %run_scoped3A_129 = tpu.sem_alloc : memref<!tpu.dma_semaphore, #tpu.memory_space<semaphore_mem>>
          %dma_start3A_130 = arith.constant 0 : i32
          %dma_start3A_131 = arith.constant 1280 : i32
          %dma_start3A_132 = tpu.memref_slice %arg4[%arg1, %run_scoped3A_116, %dma_start3A_130, %dma_start3A_131] : memref<16x3x16x2048xf32, #tpu.memory_space<vmem_shared>> -> memref<1x1x16x128xf32, #tpu.memory_space<vmem_shared>>
          %dma_start3A_133 = tpu.memref_squeeze %dma_start3A_132 : memref<1x1x16x128xf32, #tpu.memory_space<vmem_shared>> -> memref<16x128xf32, #tpu.memory_space<vmem_shared>>
          %dma_start3A_134 = arith.constant 0 : i32
          %dma_start3A_135 = arith.constant 1280 : i32
          %dma_start3A_136 = tpu.memref_slice %arg4[%arg1, %run_scoped3A_116, %dma_start3A_134, %dma_start3A_135] : memref<16x3x16x2048xf32, #tpu.memory_space<vmem_shared>> -> memref<1x1x16x128xf32, #tpu.memory_space<vmem_shared>>
          %dma_start3A_137 = tpu.memref_squeeze %dma_start3A_136 : memref<1x1x16x128xf32, #tpu.memory_space<vmem_shared>> -> memref<16x128xf32, #tpu.memory_space<vmem_shared>>
          tpu.enqueue_dma source(%arg7 : memref<16x128xf32, #tpu.memory_space<vmem>>) target(%dma_start3A_137 : memref<16x128xf32, #tpu.memory_space<vmem_shared>>) target_semaphore(%run_scoped3A_129 : memref<!tpu.dma_semaphore, #tpu.memory_space<semaphore_mem>>)
          %dma_wait3A_138 = arith.constant 0 : i32
          %dma_wait3A_139 = arith.constant 1280 : i32
          %dma_wait3A_140 = tpu.memref_slice %arg4[%arg1, %run_scoped3A_116, %dma_wait3A_138, %dma_wait3A_139] : memref<16x3x16x2048xf32, #tpu.memory_space<vmem_shared>> -> memref<1x1x16x128xf32, #tpu.memory_space<vmem_shared>>
          %dma_wait3A_141 = tpu.memref_squeeze %dma_wait3A_140 : memref<1x1x16x128xf32, #tpu.memory_space<vmem_shared>> -> memref<16x128xf32, #tpu.memory_space<vmem_shared>>
          %dma_wait3A_142 = arith.constant 0 : i32
          %dma_wait3A_143 = arith.constant 1280 : i32
          %dma_wait3A_144 = tpu.memref_slice %arg4[%arg1, %run_scoped3A_116, %dma_wait3A_142, %dma_wait3A_143] : memref<16x3x16x2048xf32, #tpu.memory_space<vmem_shared>> -> memref<1x1x16x128xf32, #tpu.memory_space<vmem_shared>>
          %dma_wait3A_145 = tpu.memref_squeeze %dma_wait3A_144 : memref<1x1x16x128xf32, #tpu.memory_space<vmem_shared>> -> memref<16x128xf32, #tpu.memory_space<vmem_shared>>
          tpu.wait_dma2 semaphore(%run_scoped3A_129 : memref<!tpu.dma_semaphore, #tpu.memory_space<semaphore_mem>>) src(%arg7 : memref<16x128xf32, #tpu.memory_space<vmem>>) dst(%dma_wait3A_145 : memref<16x128xf32, #tpu.memory_space<vmem_shared>>)
          tpu.yield
        }) : () -> ()
        %mul3A_117 = arith.constant 32 : i32
        %mul3A_118 = arith.muli %add3A_81, %mul3A_117 : i32
        %add3A_119 = arith.addi %mul3A_118, %add3A : i32
        %mul3A_120 = arith.constant 16 : i32
        %mul3A_121 = arith.muli %add3A_119, %mul3A_120 : i32
        %dma_start3A_122 = arith.constant 2 : i32
        %dma_start3A_123 = arith.constant 0 : i32
        %dma_start3A_124 = tpu.memref_slice %arg3[%mul3A_121, %dma_start3A_123] : memref<16384x2048xf32, #tpu.memory_space<hbm>> -> memref<16x2048xf32, #tpu.memory_space<hbm>>
        %dma_start3A_125 = arith.constant 0 : i32
        %dma_start3A_126 = arith.constant 0 : i32
        %dma_start3A_127 = tpu.memref_slice %arg4[%arg1, %dma_start3A_122, %dma_start3A_125, %dma_start3A_126] : memref<16x3x16x2048xf32, #tpu.memory_space<vmem_shared>> -> memref<1x1x16x2048xf32, #tpu.memory_space<vmem_shared>>
        %dma_start3A_128 = tpu.memref_squeeze %dma_start3A_127 : memref<1x1x16x2048xf32, #tpu.memory_space<vmem_shared>> -> memref<16x2048xf32, #tpu.memory_space<vmem_shared>>
        tpu.enqueue_dma source(%dma_start3A_128 : memref<16x2048xf32, #tpu.memory_space<vmem_shared>>) target(%dma_start3A_124 : memref<16x2048xf32, #tpu.memory_space<hbm>>) target_semaphore(%arg13 : memref<!tpu.dma_semaphore, #tpu.memory_space<semaphore_mem>>)
      } else {
      }
    }
    %scan3A_15 = arith.constant 11 : i32
    %add3A_16 = arith.constant 960 : i32
    %add3A_17 = arith.addi %add3A_16, %add3A : i32
    %mul3A_18 = arith.constant 16 : i32
    %mul3A_19 = arith.muli %add3A_17, %mul3A_18 : i32
    %dma_wait3A = arith.constant 0 : i32
    %dma_wait3A_20 = arith.constant 0 : i32
    %dma_wait3A_21 = tpu.memref_slice %arg3[%mul3A_19, %dma_wait3A_20] : memref<16384x2048xf32, #tpu.memory_space<hbm>> -> memref<16x2048xf32, #tpu.memory_space<hbm>>
    %dma_wait3A_22 = arith.constant 0 : i32
    %dma_wait3A_23 = arith.constant 0 : i32
    %dma_wait3A_24 = tpu.memref_slice %arg4[%arg1, %dma_wait3A, %dma_wait3A_22, %dma_wait3A_23] : memref<16x3x16x2048xf32, #tpu.memory_space<vmem_shared>> -> memref<1x1x16x2048xf32, #tpu.memory_space<vmem_shared>>
    %dma_wait3A_25 = tpu.memref_squeeze %dma_wait3A_24 : memref<1x1x16x2048xf32, #tpu.memory_space<vmem_shared>> -> memref<16x2048xf32, #tpu.memory_space<vmem_shared>>
    tpu.wait_dma2 semaphore(%arg11 : memref<!tpu.dma_semaphore, #tpu.memory_space<semaphore_mem>>) src(%dma_wait3A_25 : memref<16x2048xf32, #tpu.memory_space<vmem_shared>>) dst(%dma_wait3A_21 : memref<16x2048xf32, #tpu.memory_space<hbm>>)
    %add3A_26 = arith.constant 992 : i32
    %add3A_27 = arith.addi %add3A_26, %add3A : i32
    %mul3A_28 = arith.constant 16 : i32
    %mul3A_29 = arith.muli %add3A_27, %mul3A_28 : i32
    %dma_wait3A_30 = arith.constant 1 : i32
    %dma_wait3A_31 = arith.constant 0 : i32
    %dma_wait3A_32 = tpu.memref_slice %arg3[%mul3A_29, %dma_wait3A_31] : memref<16384x2048xf32, #tpu.memory_space<hbm>> -> memref<16x2048xf32, #tpu.memory_space<hbm>>
    %dma_wait3A_33 = arith.constant 0 : i32
    %dma_wait3A_34 = arith.constant 0 : i32
    %dma_wait3A_35 = tpu.memref_slice %arg4[%arg1, %dma_wait3A_30, %dma_wait3A_33, %dma_wait3A_34] : memref<16x3x16x2048xf32, #tpu.memory_space<vmem_shared>> -> memref<1x1x16x2048xf32, #tpu.memory_space<vmem_shared>>
    %dma_wait3A_36 = tpu.memref_squeeze %dma_wait3A_35 : memref<1x1x16x2048xf32, #tpu.memory_space<vmem_shared>> -> memref<16x2048xf32, #tpu.memory_space<vmem_shared>>
    tpu.wait_dma2 semaphore(%arg12 : memref<!tpu.dma_semaphore, #tpu.memory_space<semaphore_mem>>) src(%dma_wait3A_36 : memref<16x2048xf32, #tpu.memory_space<vmem_shared>>) dst(%dma_wait3A_32 : memref<16x2048xf32, #tpu.memory_space<hbm>>)
    %add3A_37 = arith.constant 928 : i32
    %add3A_38 = arith.addi %add3A_37, %add3A : i32
    %mul3A_39 = arith.constant 16 : i32
    %mul3A_40 = arith.muli %add3A_38, %mul3A_39 : i32
    %dma_wait3A_41 = arith.constant 2 : i32
    %dma_wait3A_42 = arith.constant 0 : i32
    %dma_wait3A_43 = tpu.memref_slice %arg3[%mul3A_40, %dma_wait3A_42] : memref<16384x2048xf32, #tpu.memory_space<hbm>> -> memref<16x2048xf32, #tpu.memory_space<hbm>>
    %dma_wait3A_44 = arith.constant 0 : i32
    %dma_wait3A_45 = arith.constant 0 : i32
    %dma_wait3A_46 = tpu.memref_slice %arg4[%arg1, %dma_wait3A_41, %dma_wait3A_44, %dma_wait3A_45] : memref<16x3x16x2048xf32, #tpu.memory_space<vmem_shared>> -> memref<1x1x16x2048xf32, #tpu.memory_space<vmem_shared>>
    %dma_wait3A_47 = tpu.memref_squeeze %dma_wait3A_46 : memref<1x1x16x2048xf32, #tpu.memory_space<vmem_shared>> -> memref<16x2048xf32, #tpu.memory_space<vmem_shared>>
    tpu.wait_dma2 semaphore(%arg13 : memref<!tpu.dma_semaphore, #tpu.memory_space<semaphore_mem>>) src(%dma_wait3A_47 : memref<16x2048xf32, #tpu.memory_space<vmem_shared>>) dst(%dma_wait3A_43 : memref<16x2048xf32, #tpu.memory_space<hbm>>)
    return
  }
}

</mosaic_0001>

<sc_bundles>
// kernel: kernel.3.cloned.1.call-start
scs
__scs_entry_jumppad:
0x0: {  	(pc) =	sbr.rel $0x88, $3  }
0x1: {  	(tag) =	ssettag $0x0;
	lr =	simm.s32 $0x1  }
0x2: {  	[smem:$0x3FA0] =	sst lr;
	_ =	strace $0xD0000000  }
0x3: {  	_ = 	snop  }
0x4: {  	_ = 	snop  }
0x5: {  	_ = 	snop  }
0x6: {  	_ = 	snop  }
0x7: {  	_ = 	snop  }
__scs_overlays_trampoline_lowered:
0x8: {  	[smem:$0x3FAF] =	sst s0  }
0x9: {  	[smem:$0x3FB0] =	sst s1  }
0xa: {  	[smem:$0x3FB1] =	sst s2  }
0xb: {  	[smem:$0x3FB2] =	sst s3  }
0xc: {  	[smem:$0x3FB3] =	sst s4  }
0xd: {  	[smem:$0x3FB4] =	sst s5  }
0xe: {  	[smem:$0x3FB5] =	sst s6  }
0xf: {  	[smem:$0x3FB6] =	sst s7  }
0x10: {  	[smem:$0x3FB7] =	sst s8  }
0x11: {  	[smem:$0x3FB8] =	sst s9;
	s0 =	simm.s32 @!p0 $0x0  }
0x12: {  	s1 =	sld [smem:$0x3F9E];
	s0 =	simm.s32 @p0 $0x1  }
0x13: {  	[smem:$0x3FB9] =	sst s0;
	s0 =	simm.s32 @!p1 $0x0  }
0x14: {  	s2 =	sld [smem:$0x3F9D];
	s0 =	simm.s32 @p1 $0x1  }
0x15: {  	[smem:$0x3FBA] =	sst s0;
	s0 =	simm.s32 @!p2 $0x0  }
0x16: {  	s3 =	sld [smem:$0x3FDB];
	s0 =	simm.s32 @p2 $0x1  }
0x17: {  	s4 =	simm.s32 $0x1BF5;
	[smem:$0x3FBC] =	sst s0  }
0x18: {  	s0 =	sld [smem:$0x3F9F];
	_ =	swait.ge [sflag:s4], $0x0  }
0x19: {  	s7 =	sld [smem:$0x3FA0]  }
0x1a: {  	s8 =	sadd.s32 $0xFFFFE003, lr  }
0x1b: {  	s9 =	sadd.s32 $0xFFFFFEF7, lr;
	s5 =	simm.s32 $0xFFFFFFFF;
	p2 =	slt.u32 s8, $0xFFFFF086  }
0x1c: {  	p1 =	slt.u32 s9, $0xF7A;
	s5 =	simm.s32 @!p2 $0x0  }
0x1d: {  	s5 =	simm.s32 @p1 $0x1;
	p0 =	seq.s32 s7, s2  }
0x1e: {  	s7 =	smul.u32 @!p0 $0xF7A, s2;
	p2 =	seq.s32 @!p0 s5, $0x0  }
0x1f: {  	s9 =	smul.u32 $0xF7A, s1;
	s8 =	simm.s32 @!p0 $0x1BF5;
	p2 =	por !p2, p0  }
0x20: {  	[sflag:s8] =	ssyncset.s32 @!p0 $0xFFFFF086;
	s6 =	sadd.s32 @!p0 s3, s7;
	s7 =	simm.s32 @!p0 $0x108  }
0x21: {  	s3 =	sadd.s32 s3, s9;
	s6 =	sadd.s32 @!p0 $0x88, s6;
	s7 =	simm.s32 @p2 $0x1082  }
0x22: {  	[simem:s7], [sflag:s8] =	dma.local @!p0 [hbm:s6], $0xF7A  }
0x23: {  	s9 =	sor.u32 $0xD0000000, s2;
	s6 =	simm.s32 $0x108;
	_ =	swait.ge @!p0 [sflag:s8], $0x0  }
0x24: {  	s3 =	sadd.s32 $0x88, s3;
	s6 =	simm.s32 @!p1 $0x1082;
	[sflag:s4] =	ssyncset.s32 $0xFFFFF086  }
0x25: {  	[simem:s6], [sflag:s4] =	dma.local [hbm:s3], $0xF7A  }
0x26: {  	[smem:$0x3FA0] =	sst s1;
	(tag) =	ssettag s2;
	_ =	strace s9  }
0x27: {  	s1 =	sld [smem:$0x3FB0]  }
0x28: {  	s2 =	sld [smem:$0x3FB1]  }
0x29: {  	s4 =	sld [smem:$0x3FB3]  }
0x2a: {  	p0 =	seq.s32 s5, $0x0;
	s5 =	sld [smem:$0x3FB4]  }
0x2b: {  	s6 =	sld [smem:$0x3FB5]  }
0x2c: {  	s7 =	sld [smem:$0x3FB6]  }
0x2d: {  	s3 =	simm.s32 $0x108;
	s8 =	sld [smem:$0x3FB7]  }
0x2e: {  	s3 =	simm.s32 @!p0 $0x1082;
	s9 =	sld [smem:$0x3FB8]  }
0x2f: {  	lr =	sadd.s32 s0, s3;
	s0 =	sld [smem:$0x3FAF]  }
0x30: {  	s3 =	sld [smem:$0x3FB2]  }
0x31: {  	[smem:$0x3FBB] =	sst s10  }
0x32: {  	s10 =	sld [smem:$0x3FB9];
	_ =	sdelay $0x3  }
0x33: {  	p0 =	seq.s32 s10, $0x1;
	s10 =	sld [smem:$0x3FBB];
	_ =	sdelay $0x3  }
0x34: {  	[smem:$0x3FBB] =	sst s10  }
0x35: {  	s10 =	sld [smem:$0x3FBA];
	_ =	sdelay $0x3  }
0x36: {  	p1 =	seq.s32 s10, $0x1;
	s10 =	sld [smem:$0x3FBB];
	_ =	sdelay $0x3  }
0x37: {  	[smem:$0x3FBB] =	sst s10  }
0x38: {  	s10 =	sld [smem:$0x3FBC]  }
0x39: {  	_ = 	snop;
	(pc) =	sbr.ind lr, $3  }
0x3a: {  	_ = 	snop  }
0x3b: {  	_ = 	snop  }
0x3c: {  	p2 =	seq.s32 s10, $0x1;
	s10 =	sld [smem:$0x3FBB]  }
0x3d: {  	_ =	shalt  }
0x3e: {  	_ =	shalt  }
0x3f: {  	_ =	shalt  }
0x40: {  	_ =	shalt  }
0x41: {  	_ =	shalt  }
0x42: {  	_ =	shalt  }
0x43: {  	_ =	shalt  }
0x44: {  	_ =	shalt  }
0x45: {  	_ =	shalt  }
0x46: {  	_ =	shalt  }
0x47: {  	_ =	shalt  }
0x48: {  	_ =	shalt  }
0x49: {  	_ =	shalt  }
0x4a: {  	_ =	shalt  }
0x4b: {  	_ =	shalt  }
0x4c: {  	_ =	shalt  }
0x4d: {  	_ =	shalt  }
0x4e: {  	_ =	shalt  }
0x4f: {  	_ =	shalt  }
0x50: {  	_ =	shalt  }
0x51: {  	_ =	shalt  }
0x52: {  	_ =	shalt  }
0x53: {  	_ =	shalt  }
0x54: {  	_ =	shalt  }
0x55: {  	_ =	shalt  }
0x56: {  	_ =	shalt  }
0x57: {  	_ =	shalt  }
0x58: {  	_ =	shalt  }
0x59: {  	_ =	shalt  }
0x5a: {  	_ =	shalt  }
0x5b: {  	_ =	shalt  }
0x5c: {  	_ =	shalt  }
0x5d: {  	_ =	shalt  }
0x5e: {  	_ =	shalt  }
0x5f: {  	_ =	shalt  }
0x60: {  	_ =	shalt  }
0x61: {  	_ =	shalt  }
0x62: {  	_ =	shalt  }
0x63: {  	_ =	shalt  }
0x64: {  	_ =	shalt  }
0x65: {  	_ =	shalt  }
0x66: {  	_ =	shalt  }
0x67: {  	_ =	shalt  }
0x68: {  	_ =	shalt  }
0x69: {  	_ =	shalt  }
0x6a: {  	_ =	shalt  }
0x6b: {  	_ =	shalt  }
0x6c: {  	_ =	shalt  }
0x6d: {  	_ =	shalt  }
0x6e: {  	_ =	shalt  }
0x6f: {  	_ =	shalt  }
0x70: {  	_ =	shalt  }
0x71: {  	_ =	shalt  }
0x72: {  	_ =	shalt  }
0x73: {  	_ =	shalt  }
0x74: {  	_ =	shalt  }
0x75: {  	_ =	shalt  }
0x76: {  	_ =	shalt  }
0x77: {  	_ =	shalt  }
0x78: {  	_ =	shalt  }
0x79: {  	_ =	shalt  }
0x7a: {  	_ =	shalt  }
0x7b: {  	_ =	shalt  }
0x7c: {  	_ =	shalt  }
0x7d: {  	_ =	shalt  }
0x7e: {  	_ =	shalt  }
0x7f: {  	_ =	shalt  }
0x80: {  	_ =	shalt  }
0x81: {  	_ =	shalt  }
0x82: {  	_ =	shalt  }
0x83: {  	_ =	shalt  }
0x84: {  	_ =	shalt  }
0x85: {  	_ =	shalt  }
0x86: {  	_ =	shalt  }
0x87: {  	_ =	shalt  }
.Lfunc_end0:
.L_simem_size_0:
called_computation_lowered:
.L_overlay_start_0:
0x88: {  	s2 =	sld [smem:$0x3FD9]  }
0x89: {  	s3 =	sld [smem:$0x3FFE];
	_ =	sdelay $0x1  }
0x8a: {  	s1 =	srdreg.scid  }
0x8b: {  	s0 =	sand.u32 $0x1, s1  }
0x8c: {  	s18 =	sshll.u32 s0, $0xA;
	s2 =	sadd.s32 s3, s2  }
0x8d: {  	s2 =	sadd.s32 s2, s18  }
0x8e: {  	[smem:$0x3FC7] =	sst s2  }
0x8f: {  	_ = 	snop  }
0x90: {  	s2 =	sld [smem:$0x3FC9]  }
0x91: {  	s19 =	sld [smem:$0x3FD0];
	(tm) =	ssettm $0x1  }
0x92: {  	s4 =	sld [smem:$0x3FFB];
	_ =	sdelay $0x3  }
0x93: {  	_ =	strace s4  }
0x94: {  	s4 =	sld [smem:$0x3FFC];
	_ =	sdelay $0x3  }
0x95: {  	_ =	strace s4  }
0x96: {  	s4 =	sld [smem:$0x3FFD];
	_ =	sdelay $0x3  }
0x97: {  	_ =	strace s4  }
0x98: {  	_ =	strace $0x8FFFFFFF  }
0x99: {  	s20 =	sld [smem:$0x3FDB];
	_ =	sdelay $0x1  }
0x9a: {  	s5 =	simm.s32 $_scs_section_size  }
0x9b: {  	s6 =	simm.s32 $_size__tile_overlayer_lowered;
	s7 =	simm.s32 $_tile_overlayer_lowered  }
0x9c: {  	s23 =	simm.s32 $0x1BFF;
	s22 =	sshll.u32 s7, $0x1;
	s4 =	sadd.s32 s5, s20  }
0x9d: {  	s8 =	simm.s32 $0x0;
	s21 =	sshll.u32 s6, $0x1;
	s6 =	sadd.s32 s22, s4  }
0x9e: {  	[timem:s8], [sflag:s23] =	dma.local [hbm:s6], s21  }
0x9f: {  	_ =	swait.ge [sflag:s23], s21  }
0xa0: {  	s5 =	ssub.s32 $0x0, s21;
	[sflag:s23] =	ssyncset.done $0x0  }
0xa1: {  	[sflag:s23] =	ssyncadd.s32 s5;
	_ =	sdelay $0x1  }
0xa2: {  	s24 =	simm.s32 $0x1B8B  }
0xa3: {  	_ =	swait.ge [sflag:s24], $0x1  }
0xa4: {  	[sflag:s24] =	ssyncset.done $0x0  }
0xa5: {  	s25 =	simm.s32 $0x1B8E;
	[sflag:s24] =	ssyncadd.s32 $0xFFFFFFFF  }
0xa6: {  	s26 =	simm.s32 $execute0_lowered;
	[smem:$0x3FD2] =	sst s25  }
0xa7: {  	s5 =	sshll.u32 s26, $0x1;
	_ =	strace $0x80000046;
	[dreg:$0x1] =	wrdreg $0xFFFFFFFF  }
0xa8: {  	s28 =	simm.s32 $_size_execute0_lowered;
	s4 =	sadd.s32 s4, s5;
	[dreg:$0x0] =	wrdreg $0x0  }
0xa9: {  	s5 =	sshll.u32 s28, $0x1;
	[dreg:$0x2] =	wrdreg s4  }
0xaa: {  	[dreg:$0x3] =	wrdreg s5  }
0xab: {  	[dreg:$0x4] =	wrdreg $0xC0  }
0xac: {  	_ =	task [dreg:s8], $0x5FFFF  }
0xad: {  	[dreg:$0x1] =	wrdreg $0xFFFFFFFF  }
0xae: {  	[dreg:$0x0] =	wrdreg $0x60  }
0xaf: {  	[dreg:$0x2] =	wrdreg s2  }
0xb0: {  	[dreg:$0x3] =	wrdreg s19  }
0xb1: {  	[dreg:$0x4] =	wrdreg $0x0  }
0xb2: {  	[dreg:$0x5] =	wrdreg $0x9  }
0xb3: {  	_ =	task.clear_ibuf [dreg:s8], $0x6FFFF;
	_ =	strace $0x90000046  }
0xb4: {  	s29 =	simm.s32 $0x9;
	_ =	strace $0x80000048  }
0xb5: {  	_ =	swait.ge [sflag:s29], $0x1  }
0xb6: {  	[sflag:s29] =	ssyncadd.s32 $0xFFFFFFFF  }
0xb7: {  	_ =	strace $0x90000048  }
0xb8: {  	_ =	sfence  }
0xb9: {  	s30 =	sld [smem:$0x0];
	_ =	sdelay $0x2  }
0xba: {  	s31 =	sshll.u32 s1, $0xD;
	s1 =	sshrl.u32 s1, $0x2  }
0xbb: {  	s3 =	sand.u32 $0x4000, s31;
	s1 =	sadd.s32 s1, s30  }
0xbc: {  	s0 =	sor.u32 s3, s0;
	s1 =	sshll.u32 s1, $0x11  }
0xbd: {  	s0 =	sor.u32 s1, s0  }
0xbe: {  	s0 =	sadd.s32 $0x8F2B, s0  }
0xbf: {  	[sflag:s0] =	ssyncadd.remote.s32 $0x1  }
0xc0: {  	_ =	sfence.sel $0xFFFF  }
0xc1: {  	[dreg:$0x0] =	wrdreg $0xFFFFFFFF;
	(pc) =	sbr.abs _section_cstart, $3  }
0xc2: {  	[dreg:$0x1] =	wrdreg $0xFFFFFFFF  }
0xc3: {  	_ =	task.clear_ibuf [dreg:s8], $0x2FFFF;
	_ =	strace $0x9FFFFFFF  }
0xc4: {  	(tm) =	ssettm $0x7FFFFFFF  }
0xc5: {  	_ =	shalt  }
tec
execute0_lowered:
.L_overlay_start_1:
0x0: {  	(tag) =	ssettag $0x1  }
0x1: {  	s7 =	rddreg [dreg:$0x0]  }
0x2: {  	s8 =	rddreg [dreg:$0x1]  }
0x3: {  	s0 =	rddreg [dreg:$0x2];
	s1 =	srdreg.scid;
	s9 =	simm.s32 $0x0  }
0x4: {  	s6 =	stileid.u32;
	s28 =	simm.s32 $0x400;
	s29 =	simm.s32 $0x4000  }
0x5: {  	s30 =	simm.s32 $0x18000;
	s31 =	simm.s32 $0x7;
	s1 =	sand.u32 $0x1, s1  }
0x6: {  	[smem:$0x7FF] =	sst s9;
	s3 =	smul.u32 $0x60000, s6;
	s5 =	sshll.u32 s6, $0x1  }
0x7: {  	s6 =	sshll.u32 s6, $0x6;
	s21 =	smov.u32 s8;
	s2 =	ssub.s32 $0x2, s1  }
0x8: {  	_ =	strace $0x80000047;
	s5 =	sor.u32 s1, s5;
	s23 =	sor.u32 $0x1C01, s6  }
0x9: {  	s4 =	sshrl.u32 s2, $0x1;
	s16 =	sshrl.u32 s3, $0x2;
	[dreg:$0x7] =	wrdreg s23  }
0xa: {  	s17 =	sshll.u32 s5, $0xC;
	[dreg:$0x5] =	wrdreg s5;
	s3 =	simm.s32 $0x19000  }
0xb: {  	s2 =	ssub.s32 s2, s4;
	s0 =	sadd.s32 s16, s0;
	s22 =	sadd.s32 s7, s17  }
0xc: {  	s24 =	sor.u32 $0x20000, s17;
	s4 =	sshll.u32 s5, $0xF;
	[dreg:$0x6] =	wrdreg s22  }
0xd: {  	s1 =	sadd.s32 s8, s17;
	s7 =	simm.s32 $0x3;
	[dreg:$0x8] =	wrdreg s24  }
0xe: {  	s25 =	sadd.s32 $0x8000, s0;
	s10 =	sadd.s32 $0x400, s0;
	s11 =	sadd.s32 $0x2000, s0  }
0xf: {  	s12 =	sadd.s32 $0x2800, s0;
	s13 =	sadd.s32 $0x10000, s0;
	s14 =	sadd.s32 $0x8400, s0  }
0x10: {  	s15 =	sadd.s32 $0xA000, s0;
	s16 =	sadd.s32 $0xA800, s0;
	s4 =	sor.u32 $0x300000, s4  }
.Ltmp0:
0x11: {  	s18 =	sadd.s32 $0x10400, s0;
	s19 =	sadd.s32 $0x12000, s0;
	(pc) =	sbr.rel .LBB2_1-.Ltmp0, $4  }
0x12: {  	s20 =	sadd.s32 $0x12800, s0;
	[dreg:$0xa] =	wrdreg s1;
	s26 =	smax.u32 s2, $0x1  }
0x13: {  	vm0 =	vcmask $0xB08;
	s23 =	sshrl.u32 s0, $0x3;
	s24 =	sor.u32 $0x1C02, s6;
	[dreg:$0x9] =	wrdreg s4  }
0x14: {  	v2 =	vimm.f32 $1.000000000e+00;
	vm1 =	vcmask $0x2B28;
	vm2 =	vcmask $0x704;
	s0 =	simm.s32 $0x18800;
	s22 =	simm.s32 $0x2;
	[dreg:$0xb] =	wrdreg s26  }
0x15: {  	v0 =	vsel vm0, $0x0, v2;
	v1 =	vsel vm1, $0x0, v2;
	v2 =	vsel vm2, $0x0, v2;
	s25 =	sshrl.u32 s25, $0x3;
	s26 =	simm.s32 $0x1;
	s4 =	simm.s32 $0x4  }
.LBB2_14:
0x16: {  	s1 =	simm.s32 $0x5  }
0x17: {  	_ =	swait.ge [sflag:s1], $0x1000  }
0x18: {  	[sflag:s1] =	ssyncset.done $0x0  }
0x19: {  	s2 =	simm.s32 $0x6;
	[sflag:s1] =	ssyncadd.s32 $0xFFFFF000  }
0x1a: {  	_ =	swait.ge [sflag:s2], $0x1000  }
0x1b: {  	s9 =	rddreg [dreg:$0x4]  }
0x1c: {  	s17 =	rddreg [dreg:$0xb];
	s9 =	sadd.s32 $0x1, s9  }
0x1d: {  	p0 =	sne.s32 s9, s17  }
.Ltmp1:
0x1e: {  	_ = 	snop;
	(pc) =	sbr.rel @!p0 .LBB2_15-.Ltmp1, $3  }
0x1f: {  	_ =	sdelay $0x1  }
0x20: {  	[sflag:s2] =	ssyncset.done $0x0  }
0x21: {  	[sflag:s2] =	ssyncadd.s32 $0xFFFFF000  }
.LBB2_1:
0x22: {  	[dreg:$0x4] =	wrdreg s9  }
0x23: {  	s1 =	rddreg [dreg:$0x6]  }
0x24: {  	s2 =	rddreg [dreg:$0x7]  }
0x25: {  	[spmem:s23], [sflag:s2] =	dma.local [hbm:s1], $0x1000  }
0x26: {  	s1 =	simm.s32 $0x0  }
.LBB2_2:
0x27: {  	p0 =	seq.s32 s1, $0x0  }
0x28: {  	s2 =	simm.s32 @!p0 $0x5  }
0x29: {  	_ =	swait.ge @!p0 [sflag:s2], $0x1000  }
0x2a: {  	s5 =	smul.u32 $0x60000, s1;
	[sflag:s2] =	ssyncset.done @!p0 $0x0  }
0x2b: {  	s8 =	rddreg [dreg:$0x8];
	[sflag:s2] =	ssyncadd.s32 @!p0 $0xFFFFF000  }
0x2c: {  	s5 =	sadd.s32 s8, s5;
	s2 =	rddreg [dreg:$0x0]  }
0x2d: {  	s2 =	sadd.s32 s2, s5  }
0x2e: {  	[spmem:s25], [sflag:s24] =	dma.local [hbm:s2], $0x1000  }
0x2f: {  	_ =	swait.ge [sflag:s26], $0x1000  }
0x30: {  	[sflag:s26] =	ssyncset.done $0x0  }
0x31: {  	[sflag:s26] =	ssyncadd.s32 $0xFFFFF000  }
0x32: {  	[tilespmem:s30], [sflag:$0x7] =	stream.strided.gather [spmem:s10], $0x800, s29, s28, $0x38;
	[tilespmem:$0x19800] =	vst v63  }
0x33: {  	_ =	swait.ge [sflag:s31], $0x800  }
0x34: {  	[sflag:s31] =	ssyncset.done $0x0  }
0x35: {  	[sflag:s31] =	ssyncadd.s32 $0xFFFFF800  }
0x36: {  	[tilespmem:s0], [sflag:$0x7] =	stream.strided.gather [spmem:s11], $0x800, s29, s28, $0x38;
	[tilespmem:$0x19800] =	vst v63  }
0x37: {  	_ =	swait.ge [sflag:s31], $0x800  }
0x38: {  	[sflag:s31] =	ssyncset.done $0x0  }
0x39: {  	[sflag:s31] =	ssyncadd.s32 $0xFFFFF800  }
0x3a: {  	[tilespmem:s3], [sflag:$0x7] =	stream.strided.gather [spmem:s12], $0x800, s29, s28, $0x38;
	[tilespmem:$0x19800] =	vst v63  }
0x3b: {  	_ =	swait.ge [sflag:s31], $0x800  }
0x3c: {  	[sflag:s31] =	ssyncset.done $0x0  }
0x3d: {  	s8 =	simm.s32 $0x0;
	[sflag:s31] =	ssyncadd.s32 $0xFFFFF800  }
0x3e: {  	v3 =	vld [tilespmem:s8+$0x18020]  }
0x3f: {  	s17 =	simm.s32 $0x200;
	s2 =	smul.u32 $0x3, s1;
	v4 =	vld [tilespmem:s8+$0x18840]  }
.LBB2_3:
0x40: {  	p1 =	sne.s32 s17, $0x1E00;
	v5 =	vld [tilespmem:s8+$0x19060];
	_ =	sdelay $0x2  }
.Ltmp2:
0x41: {  	v3 =	vmul.f32 v0, v3;
	(pc) =	sbr.rel @p1 .LBB2_3-.Ltmp2, $4  }
0x42: {  	v4 =	vmul.f32 v1, v4  }
0x43: {  	s9 =	sshra.s32 s17, $0x2;
	[tilespmem:s8+$0x18020] =	vst v3;
	v5 =	vmul.f32 v2, v5  }
0x44: {  	v3 =	vld [tilespmem:s9+$0x18020];
	[tilespmem:s8+$0x18840] =	vst v4  }
0x45: {  	s17 =	sadd.s32 $0x200, s17;
	v4 =	vld [tilespmem:s9+$0x18840];
	[tilespmem:s8+$0x19060] =	vst v5;
	s8 =	smov.u32 s9  }
0x46: {  	v5 =	vld [tilespmem:s8+$0x19060];
	_ =	sdelay $0x2  }
0x47: {  	v3 =	vmul.f32 v0, v3  }
0x48: {  	v4 =	vmul.f32 v1, v4  }
0x49: {  	[tilespmem:s8+$0x18020] =	vst v3;
	v3 =	vmul.f32 v2, v5  }
0x4a: {  	[tilespmem:s8+$0x18840] =	vst v4  }
0x4b: {  	[tilespmem:s8+$0x19060] =	vst v3  }
0x4c: {  	[spmem:s10] =	stream.strided.scatter [tilespmem:s30], [sflag:$0x7], $0x800, s29, s28, $0x38;
	[tilespmem:$0x19800] =	vst v63  }
0x4d: {  	_ =	swait.ge [sflag:s31], $0x800  }
0x4e: {  	[sflag:s31] =	ssyncset.done $0x0  }
0x4f: {  	[sflag:s31] =	ssyncadd.s32 $0xFFFFF800  }
0x50: {  	[spmem:s11] =	stream.strided.scatter [tilespmem:s0], [sflag:$0x7], $0x800, s29, s28, $0x38;
	[tilespmem:$0x19800] =	vst v63  }
0x51: {  	_ =	swait.ge [sflag:s31], $0x800  }
0x52: {  	[sflag:s31] =	ssyncset.done $0x0  }
0x53: {  	s17 =	smul.u32 $0x60, s1;
	[sflag:s31] =	ssyncadd.s32 $0xFFFFF800  }
0x54: {  	[spmem:s12] =	stream.strided.scatter [tilespmem:s3], [sflag:$0x7], $0x800, s29, s28, $0x38;
	[tilespmem:$0x19800] =	vst v63  }
.Ltmp3:
0x55: {  	s9 =	rddreg [dreg:$0x5];
	(pc) =	sbr.rel @p0 .LBB2_7-.Ltmp3, $4  }
0x56: {  	s8 =	sor.u32 s9, s17;
	_ =	swait.ge [sflag:s31], $0x800  }
0x57: {  	s2 =	sadd.s32 $0x2, s2;
	s8 =	sshll.u32 s8, $0xC;
	[sflag:s31] =	ssyncset.done $0x0  }
0x58: {  	s17 =	sor.u32 $0x1C04, s6;
	s8 =	sadd.s32 s21, s8;
	[sflag:s31] =	ssyncadd.s32 $0xFFFFF800  }
0x59: {  	[hbm:s8], [sflag:s17] =	dma.local [spmem:s23], $0x1000  }
0x5a: {  	p0 =	seq.s32 s1, $0xA  }
.Ltmp4:
0x5b: {  	_ = 	snop;
	(pc) =	sbr.rel @p0 .LBB2_8-.Ltmp4, $1  }
0x5c: {  	_ =	sdelay $0x3  }
0x5d: {  	s8 =	simm.s32 $0x6  }
0x5e: {  	_ =	swait.ge [sflag:s8], $0x1000  }
0x5f: {  	[sflag:s8] =	ssyncset.done $0x0  }
0x60: {  	[sflag:s8] =	ssyncadd.s32 $0xFFFFF000  }
.LBB2_7:
0x61: {  	s8 =	sshll.u32 s2, $0x11;
	s9 =	rddreg [dreg:$0x6]  }
0x62: {  	s17 =	sshrl.u32 s13, $0x3;
	s8 =	sadd.s32 s8, s9;
	s9 =	sor.u32 $0x1C03, s6  }
0x63: {  	[spmem:s17], [sflag:s9] =	dma.local [hbm:s8], $0x1000  }
.LBB2_8:
0x64: {  	_ =	swait.ge [sflag:s22], $0x1000  }
0x65: {  	[sflag:s22] =	ssyncset.done $0x0  }
0x66: {  	[sflag:s22] =	ssyncadd.s32 $0xFFFFF000  }
0x67: {  	[tilespmem:s30], [sflag:$0x7] =	stream.strided.gather [spmem:s14], $0x800, s29, s28, $0x38;
	[tilespmem:$0x19800] =	vst v63  }
0x68: {  	_ =	swait.ge [sflag:s31], $0x800  }
0x69: {  	[sflag:s31] =	ssyncset.done $0x0  }
0x6a: {  	[sflag:s31] =	ssyncadd.s32 $0xFFFFF800  }
0x6b: {  	[tilespmem:s0], [sflag:$0x7] =	stream.strided.gather [spmem:s15], $0x800, s29, s28, $0x38;
	[tilespmem:$0x19800] =	vst v63  }
0x6c: {  	_ =	swait.ge [sflag:s31], $0x800  }
0x6d: {  	[sflag:s31] =	ssyncset.done $0x0  }
0x6e: {  	[sflag:s31] =	ssyncadd.s32 $0xFFFFF800  }
0x6f: {  	[tilespmem:s3], [sflag:$0x7] =	stream.strided.gather [spmem:s16], $0x800, s29, s28, $0x38;
	[tilespmem:$0x19800] =	vst v63  }
0x70: {  	_ =	swait.ge [sflag:s31], $0x800  }
0x71: {  	[sflag:s31] =	ssyncset.done $0x0  }
0x72: {  	s8 =	simm.s32 $0x0;
	[sflag:s31] =	ssyncadd.s32 $0xFFFFF800  }
0x73: {  	v3 =	vld [tilespmem:s8+$0x18020]  }
0x74: {  	s17 =	simm.s32 $0x200;
	v4 =	vld [tilespmem:s8+$0x18840]  }
.LBB2_9:
0x75: {  	p0 =	sne.s32 s17, $0x1E00;
	v5 =	vld [tilespmem:s8+$0x19060];
	_ =	sdelay $0x2  }
.Ltmp5:
0x76: {  	v3 =	vmul.f32 v0, v3;
	(pc) =	sbr.rel @p0 .LBB2_9-.Ltmp5, $4  }
0x77: {  	v4 =	vmul.f32 v1, v4  }
0x78: {  	s9 =	sshra.s32 s17, $0x2;
	[tilespmem:s8+$0x18020] =	vst v3;
	v5 =	vmul.f32 v2, v5  }
0x79: {  	v3 =	vld [tilespmem:s9+$0x18020];
	[tilespmem:s8+$0x18840] =	vst v4  }
0x7a: {  	s17 =	sadd.s32 $0x200, s17;
	v4 =	vld [tilespmem:s9+$0x18840];
	[tilespmem:s8+$0x19060] =	vst v5;
	s8 =	smov.u32 s9  }
0x7b: {  	v5 =	vld [tilespmem:s8+$0x19060];
	_ =	sdelay $0x2  }
0x7c: {  	v3 =	vmul.f32 v0, v3  }
0x7d: {  	v4 =	vmul.f32 v1, v4  }
0x7e: {  	[tilespmem:s8+$0x18020] =	vst v3;
	v3 =	vmul.f32 v2, v5  }
0x7f: {  	[tilespmem:s8+$0x18840] =	vst v4  }
0x80: {  	[tilespmem:s8+$0x19060] =	vst v3  }
0x81: {  	[spmem:s14] =	stream.strided.scatter [tilespmem:s30], [sflag:$0x7], $0x800, s29, s28, $0x38;
	[tilespmem:$0x19800] =	vst v63  }
0x82: {  	_ =	swait.ge [sflag:s31], $0x800  }
0x83: {  	[sflag:s31] =	ssyncset.done $0x0  }
0x84: {  	[sflag:s31] =	ssyncadd.s32 $0xFFFFF800  }
0x85: {  	[spmem:s15] =	stream.strided.scatter [tilespmem:s0], [sflag:$0x7], $0x800, s29, s28, $0x38;
	[tilespmem:$0x19800] =	vst v63  }
0x86: {  	_ =	swait.ge [sflag:s31], $0x800  }
0x87: {  	[sflag:s31] =	ssyncset.done $0x0  }
0x88: {  	[sflag:s31] =	ssyncadd.s32 $0xFFFFF800  }
0x89: {  	[spmem:s16] =	stream.strided.scatter [tilespmem:s3], [sflag:$0x7], $0x800, s29, s28, $0x38;
	[tilespmem:$0x19800] =	vst v63  }
0x8a: {  	_ =	swait.ge [sflag:s31], $0x800  }
0x8b: {  	s5 =	sadd.s32 s21, s5;
	p0 =	seq.s32 s1, $0xA;
	[sflag:s31] =	ssyncset.done $0x0  }
.Ltmp6:
0x8c: {  	s17 =	sor.u32 $0x1C05, s6;
	[sflag:s31] =	ssyncadd.s32 $0xFFFFF800;
	(pc) =	sbr.rel @p0 .LBB2_14-.Ltmp6, $4  }
0x8d: {  	[hbm:s5], [sflag:s17] =	dma.local [spmem:s25], $0x1000  }
0x8e: {  	_ =	swait.ge [sflag:s4], $0x1000  }
0x8f: {  	[sflag:s4] =	ssyncset.done $0x0  }
0x90: {  	[sflag:s4] =	ssyncadd.s32 $0xFFFFF000  }
0x91: {  	s5 =	smul.u32 $0x300000, s1  }
0x92: {  	s8 =	rddreg [dreg:$0x9]  }
0x93: {  	s5 =	sadd.s32 s8, s5  }
0x94: {  	s9 =	rddreg [dreg:$0x0];
	s5 =	sshrl.u32 s5, $0x3  }
0x95: {  	s17 =	rddreg [dreg:$0x7];
	s5 =	sadd.s32 s9, s5  }
0x96: {  	[spmem:s23], [sflag:s17] =	dma.local [hbm:s5], $0x1000  }
0x97: {  	_ =	swait.ge [sflag:s7], $0x1000  }
0x98: {  	[sflag:s7] =	ssyncset.done $0x0  }
0x99: {  	[sflag:s7] =	ssyncadd.s32 $0xFFFFF000  }
0x9a: {  	[tilespmem:s30], [sflag:$0x7] =	stream.strided.gather [spmem:s18], $0x800, s29, s28, $0x38;
	[tilespmem:$0x19800] =	vst v63  }
0x9b: {  	_ =	swait.ge [sflag:s31], $0x800  }
0x9c: {  	[sflag:s31] =	ssyncset.done $0x0  }
0x9d: {  	[sflag:s31] =	ssyncadd.s32 $0xFFFFF800  }
0x9e: {  	[tilespmem:s0], [sflag:$0x7] =	stream.strided.gather [spmem:s19], $0x800, s29, s28, $0x38;
	[tilespmem:$0x19800] =	vst v63  }
0x9f: {  	_ =	swait.ge [sflag:s31], $0x800  }
0xa0: {  	[sflag:s31] =	ssyncset.done $0x0  }
0xa1: {  	[sflag:s31] =	ssyncadd.s32 $0xFFFFF800  }
0xa2: {  	[tilespmem:s3], [sflag:$0x7] =	stream.strided.gather [spmem:s20], $0x800, s29, s28, $0x38;
	[tilespmem:$0x19800] =	vst v63  }
0xa3: {  	_ =	swait.ge [sflag:s31], $0x800  }
0xa4: {  	[sflag:s31] =	ssyncset.done $0x0  }
0xa5: {  	s5 =	simm.s32 $0x0;
	[sflag:s31] =	ssyncadd.s32 $0xFFFFF800  }
0xa6: {  	v3 =	vld [tilespmem:s5+$0x18020]  }
0xa7: {  	s8 =	simm.s32 $0x200;
	v4 =	vld [tilespmem:s5+$0x18840]  }
.LBB2_12:
0xa8: {  	p0 =	sne.s32 s8, $0x1E00;
	v5 =	vld [tilespmem:s5+$0x19060];
	_ =	sdelay $0x2  }
.Ltmp7:
0xa9: {  	v3 =	vmul.f32 v0, v3;
	(pc) =	sbr.rel @p0 .LBB2_12-.Ltmp7, $4  }
0xaa: {  	v4 =	vmul.f32 v1, v4  }
0xab: {  	s9 =	sshra.s32 s8, $0x2;
	[tilespmem:s5+$0x18020] =	vst v3;
	v5 =	vmul.f32 v2, v5  }
0xac: {  	v3 =	vld [tilespmem:s9+$0x18020];
	[tilespmem:s5+$0x18840] =	vst v4  }
0xad: {  	s8 =	sadd.s32 $0x200, s8;
	v4 =	vld [tilespmem:s9+$0x18840];
	[tilespmem:s5+$0x19060] =	vst v5;
	s5 =	smov.u32 s9  }
0xae: {  	v5 =	vld [tilespmem:s5+$0x19060];
	_ =	sdelay $0x2  }
0xaf: {  	v3 =	vmul.f32 v0, v3  }
0xb0: {  	v4 =	vmul.f32 v1, v4  }
0xb1: {  	[tilespmem:s5+$0x18020] =	vst v3;
	v3 =	vmul.f32 v2, v5  }
0xb2: {  	[tilespmem:s5+$0x18840] =	vst v4  }
0xb3: {  	[tilespmem:s5+$0x19060] =	vst v3  }
0xb4: {  	[spmem:s18] =	stream.strided.scatter [tilespmem:s30], [sflag:$0x7], $0x800, s29, s28, $0x38;
	[tilespmem:$0x19800] =	vst v63  }
0xb5: {  	_ =	swait.ge [sflag:s31], $0x800  }
0xb6: {  	[sflag:s31] =	ssyncset.done $0x0  }
0xb7: {  	[sflag:s31] =	ssyncadd.s32 $0xFFFFF800  }
0xb8: {  	[spmem:s19] =	stream.strided.scatter [tilespmem:s0], [sflag:$0x7], $0x800, s29, s28, $0x38;
	[tilespmem:$0x19800] =	vst v63  }
0xb9: {  	_ =	swait.ge [sflag:s31], $0x800  }
0xba: {  	[sflag:s31] =	ssyncset.done $0x0  }
0xbb: {  	[sflag:s31] =	ssyncadd.s32 $0xFFFFF800  }
0xbc: {  	[spmem:s20] =	stream.strided.scatter [tilespmem:s3], [sflag:$0x7], $0x800, s29, s28, $0x38;
	[tilespmem:$0x19800] =	vst v63  }
.Ltmp8:
0xbd: {  	_ = 	snop;
	(pc) =	sbr.rel .LBB2_2-.Ltmp8, $4  }
0xbe: {  	s2 =	sshll.u32 s2, $0x11;
	s17 =	sor.u32 $0x1C06, s6;
	_ =	swait.ge [sflag:s31], $0x800  }
0xbf: {  	s8 =	sshrl.u32 s13, $0x3;
	[sflag:s31] =	ssyncset.done $0x0;
	s9 =	rddreg [dreg:$0xa]  }
0xc0: {  	s1 =	sadd.s32 $0x1, s1;
	[sflag:s31] =	ssyncadd.s32 $0xFFFFF800;
	s2 =	sadd.s32 s2, s9  }
0xc1: {  	[hbm:s2], [sflag:s17] =	dma.local [spmem:s8], $0x1000  }
.LBB2_15:
0xc2: {  	_ =	sfence.sel $0x180000  }
0xc3: {  	[bflag:$0x0] =	sbarrier.arrive $0xFFFF  }
0xc4: {  	_ =	strace $0x90000047  }
0xc5: {  	s0 =	stileid.u32;
	[bflag:$0x2] =	sbarrier.arrive $0xFFFF  }
0xc6: {  	p0 =	sne.s32 s0, $0x0;
	s0 =	rddreg [dreg:$0x3]  }
0xc7: {  	s0 =	sadd.s32 @!p0 $0x100000, s0  }
0xc8: {  	[sflag:s0] =	ssyncadd.tile.s32 @!p0 $0x1;
	_ =	shalt  }
.Lfunc_end2:
_tile_overlayer_lowered:
.L_overlay_start_2:
0xc9: {  	(tag) =	ssettag $0x2  }
0xca: {  	s0 =	rddreg [dreg:$0x0];
	s2 =	stileid.u32  }
0xcb: {  	s1 =	rddreg [dreg:$0x1];
	p0 =	sne.s32 s2, $0x0  }
0xcc: {  	s3 =	rddreg [dreg:$0x2];
	[bflag:$0x3] =	sbarrier.arrive $0xFFFF;
	s2 =	simm.s32 @!p0 $0x1C07  }
0xcd: {  	[timem:s3], [sflag:s2] =	dma.local @!p0 [hbm:s0], s1  }
0xce: {  	s0 =	simm.s32 @!p0 $0x7  }
0xcf: {  	_ =	swait.ge @!p0 [sflag:s0], s1  }
0xd0: {  	s1 =	ssub.s32 @!p0 $0x0, s1;
	[sflag:s0] =	ssyncset.done @!p0 $0x0  }
0xd1: {  	[sflag:s0] =	ssyncadd.s32 @!p0 s1  }
0xd2: {  	[bflag:$0x3] =	sbarrier.arrive $0xFFFF  }
0xd3: {  	_ =	shalt  }

</sc_bundles>
